<compile_context>
chip_gen: v7x
topology: tpu7x:2x2x1
jax: 0.10.2.dev20260603
libtpu: 0.0.44.dev20260713+nightly
codegen_flags: <defaults>
</compile_context>

<pallas_src>
import functools

import jax
import jax.numpy as jnp
from jax import lax
from jax.experimental import pallas as pl
from jax.experimental.pallas import tpu as pltpu
from jax.experimental.pallas import tpu_sc as plsc

_LOW_D = 10.0
_HIGH_D = 30.0
_HIGH_R = 0.01
_LOW_R = 0.005


_OOB = 1 << 28


def _precompute_body(dur, ret, dirn, start, stop, bat, mar, fs3_o, fp3_o,
                     fsw_o, fpw_o, w_o, *, M, BM, n, br):
    d = dur[...]
    r = ret[...]
    di = dirn[...]
    shp = d.shape
    eid = (pl.program_id(0) * br * 128
           + lax.broadcasted_iota(jnp.int32, shp, 0) * 128
           + lax.broadcasted_iota(jnp.int32, shp, 1))
    valid = eid < n
    dscore = jnp.where(d > _HIGH_D, 1.0, jnp.where(d < _LOW_D, 0.5, 0.75))
    rscore = jnp.where(r > _HIGH_R, 1.0, jnp.where(r < _LOW_R, 0.0, 0.75))
    score = (dscore * rscore).astype(jnp.float32)
    side = (r < _LOW_R) | ((d > _HIGH_D) & (r < _HIGH_R))
    not_side = jnp.logical_not(side)
    up = not_side & (di > 0)
    down = not_side & (di < 0)
    cat = jnp.where(up, 0, jnp.where(side, 1, jnp.where(down, 2, 3)))
    w = jnp.where(valid & (cat != 3), score, 0.0)
    w_o[...] = w
    col = bat[...] * M + mar[...]
    fs = start[...] * BM + col
    fp = stop[...] * BM + col
    incat = valid & (cat < 3)
    oob = _OOB + (eid & 8191)
    fs3_o[...] = jnp.where(incat, fs * 3 + cat, oob)
    fp3_o[...] = jnp.where(incat, fp * 3 + cat, oob)
    haw = w != 0.0
    fsw_o[...] = jnp.where(haw, fs, oob)
    fpw_o[...] = jnp.where(haw, fp, oob)


def _precompute(duration, returns, direction, start_at, stop_at, batch_idx,
                market, M, BM, npad):
    n = duration.shape[0]
    assert n % 128 == 0 and npad % 128 == 0
    rows_in = n // 128
    rows_out = npad // 128
    br = rows_out
    for cand in (496, 512, 256, 128, 64, 8):
        if rows_out % cand == 0:
            br = cand
            break
    g = rows_out // br
    ins = [x.reshape(rows_in, 128)
           for x in (duration, returns, direction, start_at, stop_at,
                     batch_idx, market)]
    spec = pl.BlockSpec((br, 128), lambda i: (i, 0))
    oshp = (rows_out, 128)
    outs = pl.pallas_call(
        functools.partial(_precompute_body, M=M, BM=BM, n=n, br=br),
        grid=(g,),
        in_specs=[spec] * 7,
        out_specs=[spec] * 5,
        out_shape=[
            jax.ShapeDtypeStruct(oshp, jnp.int32),
            jax.ShapeDtypeStruct(oshp, jnp.int32),
            jax.ShapeDtypeStruct(oshp, jnp.int32),
            jax.ShapeDtypeStruct(oshp, jnp.int32),
            jax.ShapeDtypeStruct(oshp, jnp.float32),
        ],
    )(*ins)
    return tuple(o.reshape(npad) for o in outs)


def _sc_scatter(fs3, fp3, fsw, fpw, w, T, BM, n_e=1024, trash=8192):
    npts = T * BM
    quar = npts // 4
    half = npts // 2
    cat_words = quar * 3
    acc_words = cat_words + trash
    npad = fs3.shape[0]
    ev_per_tile = npad // 16
    nblk = ev_per_tile // n_e
    assert ev_per_tile % n_e == 0 and nblk % 2 == 0 and n_e % 16 == 0
    zchunk = 4096
    zw_cat = cat_words // 16
    zw_w = half // 16
    assert zw_cat % zchunk == 0 and zw_w % zchunk == 0
    mesh = plsc.VectorSubcoreMesh(core_axis_name="c", subcore_axis_name="s")

    def body(fs3_hbm, fp3_hbm, fsw_hbm, fpw_hbm, w_hbm, cats_hbm, w_out_hbm,
             fs_v0, fs_v1, fp_v0, fp_v1, w_v0, w_v1,
             sidx0, sidx1, sval0, sval1, cval, zero_v,
             sem_st0, sem_st1, sem_sc0, sem_sc1, acc_sh):
        core = lax.axis_index("c")
        tid = lax.axis_index("s")
        stage = ((fs_v0, fp_v0, w_v0, sidx0, sval0, sem_st0, sem_sc0),
                 (fs_v1, fp_v1, w_v1, sidx1, sval1, sem_st1, sem_sc1))

        def zinit(i, _):
            zero_v[pl.ds(i * 16, 16)] = jnp.zeros((16,), jnp.float32)
            return _

        lax.fori_loop(0, zchunk // 16, zinit, None)

        def cinit(i, _):
            cval[pl.ds(i * 16, 16)] = jnp.full((16,), 1.0, jnp.float32)
            cval[pl.ds(n_e + i * 16, 16)] = jnp.full((16,), -1.0, jnp.float32)
            return _

        lax.fori_loop(0, n_e // 16, cinit, None)

        def run_scan(is_cat, piece, out_hbm, out_off, zw):
            def zblk(j, _):
                pltpu.sync_copy(zero_v,
                                acc_sh.at[pl.ds(tid * zw + j * zchunk, zchunk)])
                return _

            lax.fori_loop(0, zw // zchunk, zblk, None)
            plsc.subcore_barrier()

            piece_off = piece * (quar * 3 if is_cat else half)
            bound = jnp.uint32(quar * 3 if is_cat else half)

            def st_descs(bi, p):
                base = tid * ev_per_tile + bi * n_e
                fs_v, fp_v, w_v, _, _, sem_st, _ = stage[p]
                s_hbm, p_hbm = (fs3_hbm, fp3_hbm) if is_cat else (fsw_hbm,
                                                                  fpw_hbm)
                d = [pltpu.make_async_copy(s_hbm.at[pl.ds(base, n_e)], fs_v,
                                           sem_st),
                     pltpu.make_async_copy(p_hbm.at[pl.ds(base, n_e)], fp_v,
                                           sem_st)]
                if not is_cat:
                    d.append(pltpu.make_async_copy(
                        w_hbm.at[pl.ds(base, n_e)], w_v, sem_st))
                return d

            def sc_desc(p):
                _, _, _, sidx, sval, _, sem_sc = stage[p]
                src = cval if is_cat else sval
                return pltpu.make_async_copy(src, acc_sh.at[sidx], sem_sc)

            def fire_scat(p):
                _, _, _, sidx, sval, _, sem_sc = stage[p]
                src = cval if is_cat else sval
                pltpu.async_copy(src, acc_sh.at[sidx], sem_sc, add=True)

            def compute(p):
                fs_v, fp_v, w_v, sidx, sval, _, _ = stage[p]

                def lane(i, _):
                    s = fs_v[pl.ds(i * 16, 16)] - piece_off
                    q = fp_v[pl.ds(i * 16, 16)] - piece_off
                    trs = cat_words + (s & (trash - 1))
                    trq = cat_words + (q & (trash - 1))
                    oks = plsc.bitcast(s, jnp.uint32) < bound
                    okq = plsc.bitcast(q, jnp.uint32) < bound
                    sidx[pl.ds(i * 16, 16)] = jnp.where(oks, s, trs)
                    sidx[pl.ds(n_e + i * 16, 16)] = jnp.where(okq, q, trq)
                    if not is_cat:
                        v = w_v[pl.ds(i * 16, 16)]
                        sval[pl.ds(i * 16, 16)] = v
                        sval[pl.ds(n_e + i * 16, 16)] = -v
                    return _

                lax.fori_loop(0, n_e // 16, lane, None)

            for dd in st_descs(0, 0):
                dd.start()

            def body2(j, _):
                b0 = 2 * j
                for dd in st_descs(b0, 0):
                    dd.wait()

                for dd in st_descs(b0 + 1, 1):
                    dd.start()

                @pl.when(j > 0)
                def _():
                    sc_desc(0).wait()

                compute(0)
                fire_scat(0)
                for dd in st_descs(b0 + 1, 1):
                    dd.wait()

                @pl.when(j + 1 < nblk // 2)
                def _():
                    for dd in st_descs(b0 + 2, 0):
                        dd.start()

                @pl.when(j > 0)
                def _():
                    sc_desc(1).wait()

                compute(1)
                fire_scat(1)
                return _

            lax.fori_loop(0, nblk // 2, body2, None)
            sc_desc(0).wait()
            sc_desc(1).wait()
            plsc.subcore_barrier()
            pltpu.sync_copy(acc_sh.at[pl.ds(tid * zw, zw)],
                            out_hbm.at[pl.ds(out_off + tid * zw, zw)])
            plsc.subcore_barrier()

        for jq in range(2):
            qq = core * 2 + jq
            run_scan(True, qq, cats_hbm, qq * cat_words, zw_cat)
        run_scan(False, core, w_out_hbm, core * half, zw_w)

    run = pl.kernel(
        body,
        out_type=(jax.ShapeDtypeStruct((npts * 3,), jnp.float32),
                  jax.ShapeDtypeStruct((npts,), jnp.float32)),
        mesh=mesh,
        scratch_types=[
            pltpu.VMEM((n_e,), jnp.int32),
            pltpu.VMEM((n_e,), jnp.int32),
            pltpu.VMEM((n_e,), jnp.int32),
            pltpu.VMEM((n_e,), jnp.int32),
            pltpu.VMEM((n_e,), jnp.float32),
            pltpu.VMEM((n_e,), jnp.float32),
            pltpu.VMEM((2 * n_e,), jnp.int32),
            pltpu.VMEM((2 * n_e,), jnp.int32),
            pltpu.VMEM((2 * n_e,), jnp.float32),
            pltpu.VMEM((2 * n_e,), jnp.float32),
            pltpu.VMEM((2 * n_e,), jnp.float32),
            pltpu.VMEM((zchunk,), jnp.float32),
            pltpu.SemaphoreType.DMA,
            pltpu.SemaphoreType.DMA,
            pltpu.SemaphoreType.DMA,
            pltpu.SemaphoreType.DMA,
            pltpu.VMEM_SHARED((acc_words,), jnp.float32),
        ],
    )
    return run(fs3, fp3, fsw, fpw, w)


def _cumsum_body(acc_ref, out_ref, carry_ref, *, BT):
    @pl.when(pl.program_id(1) == 0)
    def _():
        carry_ref[...] = jnp.zeros_like(carry_ref)

    blk = acc_ref[0]
    row = lax.broadcasted_iota(jnp.int32, (BT, BT), 0)
    col = lax.broadcasted_iota(jnp.int32, (BT, BT), 1)
    tri = (row >= col).astype(jnp.float32)
    cum = jax.lax.dot(tri, blk, preferred_element_type=jnp.float32)
    out_ref[0] = cum + carry_ref[...]
    carry_ref[...] = carry_ref[...] + cum[BT - 1:BT, :]


def _cumsum(acc, T, C, BT=512):
    acc2 = acc.reshape(1, T, C)
    spec = pl.BlockSpec((1, BT, C), lambda c, t: (c, t, 0))
    out = pl.pallas_call(
        functools.partial(_cumsum_body, BT=BT),
        grid=(1, T // BT),
        in_specs=[spec],
        out_specs=spec,
        out_shape=jax.ShapeDtypeStruct((1, T, C), jnp.float32),
        scratch_shapes=[pltpu.VMEM((1, C), jnp.float32)],
    )(acc2)
    return out.reshape(T, C)


def kernel(duration, returns, direction, start_at, stop_at, batch_idx, market):
    n = duration.shape[0]
    T = 4096
    B = 8
    M = 64
    BM = B * M
    n_e = 1024
    grp = 16 * 2 * n_e
    npad = ((n + grp - 1) // grp) * grp
    fs3, fp3, fsw, fpw, w = _precompute(duration, returns, direction,
                                        start_at, stop_at, batch_idx, market,
                                        M, BM, npad)
    acc_cats, acc_w = _sc_scatter(fs3, fp3, fsw, fpw, w, T, BM, n_e=n_e)
    cats = _cumsum(acc_cats, T, BM * 3).reshape(T, B, M, 3)
    mask = _cumsum(acc_w, T, BM).reshape(T, B, M)
    return cats, mask

# --- scband reference (transcript-rebuilt; emitter-appended) ---
"""Pipeline reference for scband-trainer-61967788146776 (READ-ONLY COPY).

The authoritative reference and input builder live on the scoring server;
editing this copy changes nothing except your own understanding.
"""

import jax, jax.numpy as jnp
import numpy as np

T, B, M = 4096, 8, 64
N = 2000000

LOW_DURATION = 10.0
HIGH_DURATION = 30.0
HIGH_RETURNS = 0.01
LOW_RETURNS = 0.005
DURATION_SCORE = (1.0, 0.75, 0.5)
RETURNS_SCORE = (1.0, 0.75, 0.0)


def setup_inputs(seed: int = 0) -> dict:
    key = jax.random.key(seed)
    k1, k2, k3, k4, k5, k6, k7 = jax.random.split(key, 7)
    # durations in [0, 60) so thresholds 10/30 are exercised
    duration = jax.random.uniform(k1, (N,), dtype=jnp.float32) * 60.0
    # returns in [0, 0.02) so thresholds 0.005/0.01 are exercised
    returns = jax.random.uniform(k2, (N,), dtype=jnp.float32) * 0.02
    direction = jax.random.normal(k3, (N,), dtype=jnp.float32)
    start_at = jax.random.randint(k4, (N,), 0, T, dtype=jnp.int32)
    stop_at = jax.random.randint(k5, (N,), 0, T, dtype=jnp.int32)
    batch_idx = jax.random.randint(k6, (N,), 0, B, dtype=jnp.int32)
    market = jax.random.randint(k7, (N,), 0, M, dtype=jnp.int32)
    return {
        "duration": duration,
        "returns": returns,
        "direction": direction,
        "start_at": start_at,
        "stop_at": stop_at,
        "batch_idx": batch_idx,
        "market": market,
    }


def reference(duration, returns, direction, start_at, stop_at, batch_idx, market):
    # Settings.trend_initial_scores
    ones_d = jnp.full_like(duration, DURATION_SCORE[0])
    low_d = jnp.full_like(duration, DURATION_SCORE[2])
    duration_score = jnp.select(
        [duration > HIGH_DURATION, duration < LOW_DURATION],
        [ones_d, low_d],
        DURATION_SCORE[1],
    )
    ones_r = jnp.full_like(returns, RETURNS_SCORE[0])
    low_r = jnp.full_like(returns, RETURNS_SCORE[2])
    returns_score = jnp.select(
        [returns > HIGH_RETURNS, returns < LOW_RETURNS],
        [ones_r, low_r],
        RETURNS_SCORE[1],
    )
    trend_scores = duration_score * returns_score

    # Settings.categorical_trend_indices (note original operator precedence: | binds after &)
    side = (returns < LOW_RETURNS) | ((duration > HIGH_DURATION) & (returns < HIGH_RETURNS))
    up = (~side) & (direction > 0)
    down = (~side) & (direction < 0)

    # Trainer.get_labels: boolean-subset scatter is expressed as weighted scatter-add
    # (mathematically identical to indexing the subset then scattering it).
    mask = jnp.zeros((T, B, M), dtype=jnp.float32)
    labels_list = []
    for sel in (up, side, down):
        w = jnp.where(sel, trend_scores, 0.0)
        mask = mask.at[start_at, batch_idx, market].add(w)
        mask = mask.at[stop_at, batch_idx, market].add(-w)
        ind = sel.astype(jnp.float32)
        label = jnp.zeros((T, B, M), dtype=jnp.float32)
        label = label.at[start_at, batch_idx, market].add(ind)
        label = label.at[stop_at, batch_idx, market].add(-ind)
        labels_list.append(jnp.cumsum(label, axis=0))
    cats = jnp.stack(labels_list, axis=-1)
    mask_out = jnp.cumsum(mask, axis=0)
    return cats, mask_out

if __name__ == "__main__":
    import jax
    _d = setup_inputs()
    print(jax.jit(kernel)(*tuple(_d.values())))

</pallas_src>

<mosaic_0001>
#map = affine_map<(d0, d1) -> (0)>
module attributes {stable_mosaic.version = 14 : i64} {
  func.func @body(%arg0: i32, %arg1: i32, %arg2: memref<2031616xi32, #tpu.memory_space<hbm>>, %arg3: memref<2031616xi32, #tpu.memory_space<hbm>>, %arg4: memref<2031616xi32, #tpu.memory_space<hbm>>, %arg5: memref<2031616xi32, #tpu.memory_space<hbm>>, %arg6: memref<2031616xf32, #tpu.memory_space<hbm>>, %arg7: memref<6291456xf32, #tpu.memory_space<hbm>>, %arg8: memref<2097152xf32, #tpu.memory_space<hbm>>, %arg9: memref<1024xi32, #tpu.memory_space<vmem>>, %arg10: memref<1024xi32, #tpu.memory_space<vmem>>, %arg11: memref<1024xi32, #tpu.memory_space<vmem>>, %arg12: memref<1024xi32, #tpu.memory_space<vmem>>, %arg13: memref<1024xf32, #tpu.memory_space<vmem>>, %arg14: memref<1024xf32, #tpu.memory_space<vmem>>, %arg15: memref<2048xi32, #tpu.memory_space<vmem>>, %arg16: memref<2048xi32, #tpu.memory_space<vmem>>, %arg17: memref<2048xf32, #tpu.memory_space<vmem>>, %arg18: memref<2048xf32, #tpu.memory_space<vmem>>, %arg19: memref<2048xf32, #tpu.memory_space<vmem>>, %arg20: memref<4096xf32, #tpu.memory_space<vmem>>, %arg21: memref<!tpu.dma_semaphore, #tpu.memory_space<semaphore_mem>>, %arg22: memref<!tpu.dma_semaphore, #tpu.memory_space<semaphore_mem>>, %arg23: memref<!tpu.dma_semaphore, #tpu.memory_space<semaphore_mem>>, %arg24: memref<!tpu.dma_semaphore, #tpu.memory_space<semaphore_mem>>, %arg25: memref<1581056xf32, #tpu.memory_space<vmem_shared>>) attributes {dimension_semantics = [#tpu.dimension_semantics<core_parallel>, #tpu.dimension_semantics<subcore_parallel>], iteration_bounds = array<i64: 2, 16>, scalar_prefetch = 0 : i64, scratch_operands = 17 : i64, tpu.core_type = #tpu.core_type<sc_vector_subcore>, window_params = [{transform_indices = #map}, {transform_indices = #map}, {transform_indices = #map}, {transform_indices = #map}, {transform_indices = #map}, {transform_indices = #map}, {transform_indices = #map}]} {
    %scan3A = arith.constant 0 : i32
    %scan3A_0 = arith.constant 256 : i32
    %scan3A_1 = arith.addi %scan3A, %scan3A_0 : i32
    %scan3A_2 = arith.constant 1 : i32
    scf.for %scan3A_119 = %scan3A to %scan3A_1 step %scan3A_2  : i32 {
      %broadcast_in_dim3A = arith.constant 0.000000e+00 : f32
      %broadcast_in_dim3A_120 = vector.broadcast %broadcast_in_dim3A : f32 to vector<16xf32>
      %mul3A_121 = arith.constant 16 : i32
      %mul3A_122 = arith.muli %scan3A_119, %mul3A_121 : i32
      %swap3A = arith.index_cast %mul3A_122 : i32 to index
      %swap3A_123 = tpu.vector_load %arg20[%swap3A] {strides = array<i32>} : memref<4096xf32, #tpu.memory_space<vmem>>, vector<16xf32>,
      %swap3A_124 = vector.shape_cast %swap3A_123 : vector<16xf32> to vector<16xf32>
      %swap3A_125 = vector.shape_cast %broadcast_in_dim3A_120 : vector<16xf32> to vector<16xf32>
      tpu.vector_store %arg20[%swap3A], %swap3A_125 {strides = array<i32>} : memref<4096xf32, #tpu.memory_space<vmem>>, vector<16xf32>,
    }
    %scan3A_3 = arith.constant 256 : i32
    %scan3A_4 = arith.constant 0 : i32
    %scan3A_5 = arith.constant 64 : i32
    %scan3A_6 = arith.addi %scan3A_4, %scan3A_5 : i32
    %scan3A_7 = arith.constant 1 : i32
    scf.for %scan3A_119 = %scan3A_4 to %scan3A_6 step %scan3A_7  : i32 {
      %broadcast_in_dim3A = arith.constant 1.000000e+00 : f32
      %broadcast_in_dim3A_120 = vector.broadcast %broadcast_in_dim3A : f32 to vector<16xf32>
      %mul3A_121 = arith.constant 16 : i32
      %mul3A_122 = arith.muli %scan3A_119, %mul3A_121 : i32
      %swap3A = arith.index_cast %mul3A_122 : i32 to index
      %swap3A_123 = tpu.vector_load %arg19[%swap3A] {strides = array<i32>} : memref<2048xf32, #tpu.memory_space<vmem>>, vector<16xf32>,
      %swap3A_124 = vector.shape_cast %swap3A_123 : vector<16xf32> to vector<16xf32>
      %swap3A_125 = vector.shape_cast %broadcast_in_dim3A_120 : vector<16xf32> to vector<16xf32>
      tpu.vector_store %arg19[%swap3A], %swap3A_125 {strides = array<i32>} : memref<2048xf32, #tpu.memory_space<vmem>>, vector<16xf32>,
      %broadcast_in_dim3A_126 = arith.constant -1.000000e+00 : f32
      %broadcast_in_dim3A_127 = vector.broadcast %broadcast_in_dim3A_126 : f32 to vector<16xf32>
      %mul3A_128 = arith.constant 16 : i32
      %mul3A_129 = arith.muli %scan3A_119, %mul3A_128 : i32
      %add3A_130 = arith.constant 1024 : i32
      %add3A_131 = arith.addi %add3A_130, %mul3A_129 : i32
      %swap3A_132 = arith.index_cast %add3A_131 : i32 to index
      %swap3A_133 = tpu.vector_load %arg19[%swap3A_132] {strides = array<i32>} : memref<2048xf32, #tpu.memory_space<vmem>>, vector<16xf32>,
      %swap3A_134 = vector.shape_cast %swap3A_133 : vector<16xf32> to vector<16xf32>
      %swap3A_135 = vector.shape_cast %broadcast_in_dim3A_127 : vector<16xf32> to vector<16xf32>
      tpu.vector_store %arg19[%swap3A_132], %swap3A_135 {strides = array<i32>} : memref<2048xf32, #tpu.memory_space<vmem>>, vector<16xf32>,
    }
    %scan3A_8 = arith.constant 64 : i32
    %mul3A = arith.constant 2 : i32
    %mul3A_9 = arith.muli %arg0, %mul3A : i32
    %add3A = arith.constant 0 : i32
    %add3A_10 = arith.addi %mul3A_9, %add3A : i32
    %mul3A_11 = arith.constant 1572864 : i32
    %mul3A_12 = arith.muli %add3A_10, %mul3A_11 : i32
    %scan3A_13 = arith.constant 0 : i32
    %scan3A_14 = arith.constant 24 : i32
    %scan3A_15 = arith.addi %scan3A_13, %scan3A_14 : i32
    %scan3A_16 = arith.constant 1 : i32
    scf.for %scan3A_119 = %scan3A_13 to %scan3A_15 step %scan3A_16  : i32 {
      %mul3A_120 = arith.constant 98304 : i32
      %mul3A_121 = arith.muli %arg1, %mul3A_120 : i32
      %mul3A_122 = arith.constant 4096 : i32
      %mul3A_123 = arith.muli %scan3A_119, %mul3A_122 : i32
      %add3A_124 = arith.addi %mul3A_121, %mul3A_123 : i32
      "tpu.region"() ({
        %run_scoped3A = tpu.sem_alloc : memref<!tpu.dma_semaphore, #tpu.memory_space<semaphore_mem>>
        %dma_start3A_125 = tpu.memref_slice %arg25[%add3A_124] : memref<1581056xf32, #tpu.memory_space<vmem_shared>> -> memref<4096xf32, #tpu.memory_space<vmem_shared>>
        %dma_start3A_126 = tpu.memref_slice %arg25[%add3A_124] : memref<1581056xf32, #tpu.memory_space<vmem_shared>> -> memref<4096xf32, #tpu.memory_space<vmem_shared>>
        tpu.enqueue_dma source(%arg20 : memref<4096xf32, #tpu.memory_space<vmem>>) target(%dma_start3A_126 : memref<4096xf32, #tpu.memory_space<vmem_shared>>) target_semaphore(%run_scoped3A : memref<!tpu.dma_semaphore, #tpu.memory_space<semaphore_mem>>)
        %dma_wait3A_127 = tpu.memref_slice %arg25[%add3A_124] : memref<1581056xf32, #tpu.memory_space<vmem_shared>> -> memref<4096xf32, #tpu.memory_space<vmem_shared>>
        %dma_wait3A_128 = tpu.memref_slice %arg25[%add3A_124] : memref<1581056xf32, #tpu.memory_space<vmem_shared>> -> memref<4096xf32, #tpu.memory_space<vmem_shared>>
        tpu.wait_dma2 semaphore(%run_scoped3A : memref<!tpu.dma_semaphore, #tpu.memory_space<semaphore_mem>>) src(%arg20 : memref<4096xf32, #tpu.memory_space<vmem>>) dst(%dma_wait3A_128 : memref<4096xf32, #tpu.memory_space<vmem_shared>>)
        tpu.yield
      }) : () -> ()
    }
    %scan3A_17 = arith.constant 24 : i32
    %barrier3A = arith.constant 0 : index
    tpu.barrier barrier_id(%barrier3A)
    %mul3A_18 = arith.constant 1572864 : i32
    %mul3A_19 = arith.muli %add3A_10, %mul3A_18 : i32
    %mul3A_20 = arith.constant 126976 : i32
    %mul3A_21 = arith.muli %arg1, %mul3A_20 : i32
    %add3A_22 = arith.constant 0 : i32
    %add3A_23 = arith.addi %mul3A_21, %add3A_22 : i32
    %dma_start3A = tpu.memref_slice %arg2[%add3A_23] : memref<2031616xi32, #tpu.memory_space<hbm>> -> memref<1024xi32, #tpu.memory_space<hbm>>
    %dma_start3A_24 = tpu.memref_slice %arg2[%add3A_23] : memref<2031616xi32, #tpu.memory_space<hbm>> -> memref<1024xi32, #tpu.memory_space<hbm>>
    tpu.enqueue_dma source(%dma_start3A_24 : memref<1024xi32, #tpu.memory_space<hbm>>) target(%arg9 : memref<1024xi32, #tpu.memory_space<vmem>>) target_semaphore(%arg21 : memref<!tpu.dma_semaphore, #tpu.memory_space<semaphore_mem>>)
    %dma_start3A_25 = tpu.memref_slice %arg3[%add3A_23] : memref<2031616xi32, #tpu.memory_space<hbm>> -> memref<1024xi32, #tpu.memory_space<hbm>>
    %dma_start3A_26 = tpu.memref_slice %arg3[%add3A_23] : memref<2031616xi32, #tpu.memory_space<hbm>> -> memref<1024xi32, #tpu.memory_space<hbm>>
    tpu.enqueue_dma source(%dma_start3A_26 : memref<1024xi32, #tpu.memory_space<hbm>>) target(%arg11 : memref<1024xi32, #tpu.memory_space<vmem>>) target_semaphore(%arg21 : memref<!tpu.dma_semaphore, #tpu.memory_space<semaphore_mem>>)
    %scan3A_27 = arith.constant 1572864 : i32
    %scan3A_28 = arith.constant 0 : i32
    %scan3A_29 = arith.constant 62 : i32
    %scan3A_30 = arith.addi %scan3A_28, %scan3A_29 : i32
    %scan3A_31 = arith.constant 1 : i32
    scf.for %scan3A_119 = %scan3A_28 to %scan3A_30 step %scan3A_31  : i32 {
      %mul3A_120 = arith.constant 2 : i32
      %mul3A_121 = arith.muli %mul3A_120, %scan3A_119 : i32
      %mul3A_122 = arith.constant 126976 : i32
      %mul3A_123 = arith.muli %arg1, %mul3A_122 : i32
      %mul3A_124 = arith.constant 1024 : i32
      %mul3A_125 = arith.muli %mul3A_121, %mul3A_124 : i32
      %add3A_126 = arith.addi %mul3A_123, %mul3A_125 : i32
      %dma_wait3A_127 = tpu.memref_slice %arg2[%add3A_126] : memref<2031616xi32, #tpu.memory_space<hbm>> -> memref<1024xi32, #tpu.memory_space<hbm>>
      %dma_wait3A_128 = tpu.memref_slice %arg2[%add3A_126] : memref<2031616xi32, #tpu.memory_space<hbm>> -> memref<1024xi32, #tpu.memory_space<hbm>>
      tpu.wait_dma2 semaphore(%arg21 : memref<!tpu.dma_semaphore, #tpu.memory_space<semaphore_mem>>) src(%dma_wait3A_128 : memref<1024xi32, #tpu.memory_space<hbm>>) dst(%arg9 : memref<1024xi32, #tpu.memory_space<vmem>>)
      %dma_wait3A_129 = tpu.memref_slice %arg3[%add3A_126] : memref<2031616xi32, #tpu.memory_space<hbm>> -> memref<1024xi32, #tpu.memory_space<hbm>>
      %dma_wait3A_130 = tpu.memref_slice %arg3[%add3A_126] : memref<2031616xi32, #tpu.memory_space<hbm>> -> memref<1024xi32, #tpu.memory_space<hbm>>
      tpu.wait_dma2 semaphore(%arg21 : memref<!tpu.dma_semaphore, #tpu.memory_space<semaphore_mem>>) src(%dma_wait3A_130 : memref<1024xi32, #tpu.memory_space<hbm>>) dst(%arg11 : memref<1024xi32, #tpu.memory_space<vmem>>)
      %add3A_131 = arith.constant 1 : i32
      %add3A_132 = arith.addi %mul3A_121, %add3A_131 : i32
      %mul3A_133 = arith.constant 126976 : i32
      %mul3A_134 = arith.muli %arg1, %mul3A_133 : i32
      %mul3A_135 = arith.constant 1024 : i32
      %mul3A_136 = arith.muli %add3A_132, %mul3A_135 : i32
      %add3A_137 = arith.addi %mul3A_134, %mul3A_136 : i32
      %dma_start3A_138 = tpu.memref_slice %arg2[%add3A_137] : memref<2031616xi32, #tpu.memory_space<hbm>> -> memref<1024xi32, #tpu.memory_space<hbm>>
      %dma_start3A_139 = tpu.memref_slice %arg2[%add3A_137] : memref<2031616xi32, #tpu.memory_space<hbm>> -> memref<1024xi32, #tpu.memory_space<hbm>>
      tpu.enqueue_dma source(%dma_start3A_139 : memref<1024xi32, #tpu.memory_space<hbm>>) target(%arg10 : memref<1024xi32, #tpu.memory_space<vmem>>) target_semaphore(%arg22 : memref<!tpu.dma_semaphore, #tpu.memory_space<semaphore_mem>>)
      %dma_start3A_140 = tpu.memref_slice %arg3[%add3A_137] : memref<2031616xi32, #tpu.memory_space<hbm>> -> memref<1024xi32, #tpu.memory_space<hbm>>
      %dma_start3A_141 = tpu.memref_slice %arg3[%add3A_137] : memref<2031616xi32, #tpu.memory_space<hbm>> -> memref<1024xi32, #tpu.memory_space<hbm>>
      tpu.enqueue_dma source(%dma_start3A_141 : memref<1024xi32, #tpu.memory_space<hbm>>) target(%arg12 : memref<1024xi32, #tpu.memory_space<vmem>>) target_semaphore(%arg22 : memref<!tpu.dma_semaphore, #tpu.memory_space<semaphore_mem>>)
      %gt3A = arith.constant 0 : i32
      %gt3A_142 = arith.cmpi sgt, %scan3A_119, %gt3A : i32
      %convert_element_type3A = arith.extui %gt3A_142 : i1 to i32
      %cond3A = arith.constant 0 : i32
      %cond3A_143 = arith.cmpi ne, %convert_element_type3A, %cond3A : i32
      scf.if %cond3A_143 {
        %dma_wait3A_180 = arith.constant 0 : i32
        %dma_wait3A_181 = tpu.memref_slice %arg25[%dma_wait3A_180] : memref<1581056xf32, #tpu.memory_space<vmem_shared>> -> memref<1581056xf32, #tpu.memory_space<vmem_shared>>
        tpu.wait_indirect_dma semaphore(%arg23 : memref<!tpu.dma_semaphore, #tpu.memory_space<semaphore_mem>>) src(%arg19 : memref<2048xf32, #tpu.memory_space<vmem>>) dst(%dma_wait3A_181 : memref<1581056xf32, #tpu.memory_space<vmem_shared>>)
      } else {
      }
      %scan3A_144 = arith.constant 0 : i32
      %scan3A_145 = arith.constant 64 : i32
      %scan3A_146 = arith.addi %scan3A_144, %scan3A_145 : i32
      %scan3A_147 = arith.constant 1 : i32
      scf.for %scan3A_180 = %scan3A_144 to %scan3A_146 step %scan3A_147  : i32 {
        %mul3A_181 = arith.constant 16 : i32
        %mul3A_182 = arith.muli %scan3A_180, %mul3A_181 : i32
        %get3A = arith.index_cast %mul3A_182 : i32 to index
        %get3A_183 = tpu.vector_load %arg9[%get3A] {strides = array<i32>} : memref<1024xi32, #tpu.memory_space<vmem>>, vector<16xi32>,
        %get3A_184 = vector.shape_cast %get3A_183 : vector<16xi32> to vector<16xi32>
        %sub3A = vector.broadcast %mul3A_19 : i32 to vector<16xi32>
        %sub3A_185 = arith.subi %get3A_184, %sub3A : vector<16xi32>
        %mul3A_186 = arith.constant 16 : i32
        %mul3A_187 = arith.muli %scan3A_180, %mul3A_186 : i32
        %get3A_188 = arith.index_cast %mul3A_187 : i32 to index
        %get3A_189 = tpu.vector_load %arg11[%get3A_188] {strides = array<i32>} : memref<1024xi32, #tpu.memory_space<vmem>>, vector<16xi32>,
        %get3A_190 = vector.shape_cast %get3A_189 : vector<16xi32> to vector<16xi32>
        %sub3A_191 = vector.broadcast %mul3A_19 : i32 to vector<16xi32>
        %sub3A_192 = arith.subi %get3A_190, %sub3A_191 : vector<16xi32>
        %and3A = arith.constant 8191 : i32
        %and3A_193 = vector.broadcast %and3A : i32 to vector<16xi32>
        %and3A_194 = arith.andi %sub3A_185, %and3A_193 : vector<16xi32>
        %add3A_195 = arith.constant 1572864 : i32
        %add3A_196 = vector.broadcast %add3A_195 : i32 to vector<16xi32>
        %add3A_197 = arith.addi %add3A_196, %and3A_194 : vector<16xi32>
        %and3A_198 = arith.constant 8191 : i32
        %and3A_199 = vector.broadcast %and3A_198 : i32 to vector<16xi32>
        %and3A_200 = arith.andi %sub3A_192, %and3A_199 : vector<16xi32>
        %add3A_201 = arith.constant 1572864 : i32
        %add3A_202 = vector.broadcast %add3A_201 : i32 to vector<16xi32>
        %add3A_203 = arith.addi %add3A_202, %and3A_200 : vector<16xi32>
        %bitcast3A = vector.bitcast %sub3A_185 : vector<16xi32> to vector<16xi32>
        %lt3A_204 = vector.broadcast %scan3A_27 : i32 to vector<16xi32>
        %lt3A_205 = arith.cmpi ult, %bitcast3A, %lt3A_204 : vector<16xi32>
        %bitcast3A_206 = vector.bitcast %sub3A_192 : vector<16xi32> to vector<16xi32>
        %lt3A_207 = vector.broadcast %scan3A_27 : i32 to vector<16xi32>
        %lt3A_208 = arith.cmpi ult, %bitcast3A_206, %lt3A_207 : vector<16xi32>
        %select_n3A = arith.select %lt3A_205, %sub3A_185, %add3A_197 : vector<16xi1>, vector<16xi32>
        %mul3A_209 = arith.constant 16 : i32
        %mul3A_210 = arith.muli %scan3A_180, %mul3A_209 : i32
        %swap3A = arith.index_cast %mul3A_210 : i32 to index
        %swap3A_211 = tpu.vector_load %arg15[%swap3A] {strides = array<i32>} : memref<2048xi32, #tpu.memory_space<vmem>>, vector<16xi32>,
        %swap3A_212 = vector.shape_cast %swap3A_211 : vector<16xi32> to vector<16xi32>
        %swap3A_213 = vector.shape_cast %select_n3A : vector<16xi32> to vector<16xi32>
        tpu.vector_store %arg15[%swap3A], %swap3A_213 {strides = array<i32>} : memref<2048xi32, #tpu.memory_space<vmem>>, vector<16xi32>,
        %select_n3A_214 = arith.select %lt3A_208, %sub3A_192, %add3A_203 : vector<16xi1>, vector<16xi32>
        %mul3A_215 = arith.constant 16 : i32
        %mul3A_216 = arith.muli %scan3A_180, %mul3A_215 : i32
        %add3A_217 = arith.constant 1024 : i32
        %add3A_218 = arith.addi %add3A_217, %mul3A_216 : i32
        %swap3A_219 = arith.index_cast %add3A_218 : i32 to index
        %swap3A_220 = tpu.vector_load %arg15[%swap3A_219] {strides = array<i32>} : memref<2048xi32, #tpu.memory_space<vmem>>, vector<16xi32>,
        %swap3A_221 = vector.shape_cast %swap3A_220 : vector<16xi32> to vector<16xi32>
        %swap3A_222 = vector.shape_cast %select_n3A_214 : vector<16xi32> to vector<16xi32>
        tpu.vector_store %arg15[%swap3A_219], %swap3A_222 {strides = array<i32>} : memref<2048xi32, #tpu.memory_space<vmem>>, vector<16xi32>,
      }
      %scan3A_148 = arith.constant 64 : i32
      %dma_start3A_149 = arith.constant 0 : i32
      %dma_start3A_150 = tpu.memref_slice %arg25[%dma_start3A_149] : memref<1581056xf32, #tpu.memory_space<vmem_shared>> -> memref<1581056xf32, #tpu.memory_space<vmem_shared>>
      tpu.enqueue_indirect_dma source(%arg19 : memref<2048xf32, #tpu.memory_space<vmem>>) target(%dma_start3A_150 : memref<1581056xf32, #tpu.memory_space<vmem_shared>>) offsets(%arg15 : memref<2048xi32, #tpu.memory_space<vmem>>) semaphore(%arg23 : memref<!tpu.dma_semaphore, #tpu.memory_space<semaphore_mem>>) {add = true}
      %add3A_151 = arith.constant 1 : i32
      %add3A_152 = arith.addi %mul3A_121, %add3A_151 : i32
      %mul3A_153 = arith.constant 126976 : i32
      %mul3A_154 = arith.muli %arg1, %mul3A_153 : i32
      %mul3A_155 = arith.constant 1024 : i32
      %mul3A_156 = arith.muli %add3A_152, %mul3A_155 : i32
      %add3A_157 = arith.addi %mul3A_154, %mul3A_156 : i32
      %dma_wait3A_158 = tpu.memref_slice %arg2[%add3A_157] : memref<2031616xi32, #tpu.memory_space<hbm>> -> memref<1024xi32, #tpu.memory_space<hbm>>
      %dma_wait3A_159 = tpu.memref_slice %arg2[%add3A_157] : memref<2031616xi32, #tpu.memory_space<hbm>> -> memref<1024xi32, #tpu.memory_space<hbm>>
      tpu.wait_dma2 semaphore(%arg22 : memref<!tpu.dma_semaphore, #tpu.memory_space<semaphore_mem>>) src(%dma_wait3A_159 : memref<1024xi32, #tpu.memory_space<hbm>>) dst(%arg10 : memref<1024xi32, #tpu.memory_space<vmem>>)
      %dma_wait3A_160 = tpu.memref_slice %arg3[%add3A_157] : memref<2031616xi32, #tpu.memory_space<hbm>> -> memref<1024xi32, #tpu.memory_space<hbm>>
      %dma_wait3A_161 = tpu.memref_slice %arg3[%add3A_157] : memref<2031616xi32, #tpu.memory_space<hbm>> -> memref<1024xi32, #tpu.memory_space<hbm>>
      tpu.wait_dma2 semaphore(%arg22 : memref<!tpu.dma_semaphore, #tpu.memory_space<semaphore_mem>>) src(%dma_wait3A_161 : memref<1024xi32, #tpu.memory_space<hbm>>) dst(%arg12 : memref<1024xi32, #tpu.memory_space<vmem>>)
      %add3A_162 = arith.constant 1 : i32
      %add3A_163 = arith.addi %scan3A_119, %add3A_162 : i32
      %lt3A = arith.constant 62 : i32
      %lt3A_164 = arith.cmpi slt, %add3A_163, %lt3A : i32
      %convert_element_type3A_165 = arith.extui %lt3A_164 : i1 to i32
      %cond3A_166 = arith.constant 0 : i32
      %cond3A_167 = arith.cmpi ne, %convert_element_type3A_165, %cond3A_166 : i32
      scf.if %cond3A_167 {
        %add3A_180 = arith.constant 2 : i32
        %add3A_181 = arith.addi %mul3A_121, %add3A_180 : i32
        %mul3A_182 = arith.constant 126976 : i32
        %mul3A_183 = arith.muli %arg1, %mul3A_182 : i32
        %mul3A_184 = arith.constant 1024 : i32
        %mul3A_185 = arith.muli %add3A_181, %mul3A_184 : i32
        %add3A_186 = arith.addi %mul3A_183, %mul3A_185 : i32
        %dma_start3A_187 = tpu.memref_slice %arg2[%add3A_186] : memref<2031616xi32, #tpu.memory_space<hbm>> -> memref<1024xi32, #tpu.memory_space<hbm>>
        %dma_start3A_188 = tpu.memref_slice %arg2[%add3A_186] : memref<2031616xi32, #tpu.memory_space<hbm>> -> memref<1024xi32, #tpu.memory_space<hbm>>
        tpu.enqueue_dma source(%dma_start3A_188 : memref<1024xi32, #tpu.memory_space<hbm>>) target(%arg9 : memref<1024xi32, #tpu.memory_space<vmem>>) target_semaphore(%arg21 : memref<!tpu.dma_semaphore, #tpu.memory_space<semaphore_mem>>)
        %dma_start3A_189 = tpu.memref_slice %arg3[%add3A_186] : memref<2031616xi32, #tpu.memory_space<hbm>> -> memref<1024xi32, #tpu.memory_space<hbm>>
        %dma_start3A_190 = tpu.memref_slice %arg3[%add3A_186] : memref<2031616xi32, #tpu.memory_space<hbm>> -> memref<1024xi32, #tpu.memory_space<hbm>>
        tpu.enqueue_dma source(%dma_start3A_190 : memref<1024xi32, #tpu.memory_space<hbm>>) target(%arg11 : memref<1024xi32, #tpu.memory_space<vmem>>) target_semaphore(%arg21 : memref<!tpu.dma_semaphore, #tpu.memory_space<semaphore_mem>>)
      } else {
      }
      %gt3A_168 = arith.constant 0 : i32
      %gt3A_169 = arith.cmpi sgt, %scan3A_119, %gt3A_168 : i32
      %convert_element_type3A_170 = arith.extui %gt3A_169 : i1 to i32
      %cond3A_171 = arith.constant 0 : i32
      %cond3A_172 = arith.cmpi ne, %convert_element_type3A_170, %cond3A_171 : i32
      scf.if %cond3A_172 {
        %dma_wait3A_180 = arith.constant 0 : i32
        %dma_wait3A_181 = tpu.memref_slice %arg25[%dma_wait3A_180] : memref<1581056xf32, #tpu.memory_space<vmem_shared>> -> memref<1581056xf32, #tpu.memory_space<vmem_shared>>
        tpu.wait_indirect_dma semaphore(%arg24 : memref<!tpu.dma_semaphore, #tpu.memory_space<semaphore_mem>>) src(%arg19 : memref<2048xf32, #tpu.memory_space<vmem>>) dst(%dma_wait3A_181 : memref<1581056xf32, #tpu.memory_space<vmem_shared>>)
      } else {
      }
      %scan3A_173 = arith.constant 0 : i32
      %scan3A_174 = arith.constant 64 : i32
      %scan3A_175 = arith.addi %scan3A_173, %scan3A_174 : i32
      %scan3A_176 = arith.constant 1 : i32
      scf.for %scan3A_180 = %scan3A_173 to %scan3A_175 step %scan3A_176  : i32 {
        %mul3A_181 = arith.constant 16 : i32
        %mul3A_182 = arith.muli %scan3A_180, %mul3A_181 : i32
        %get3A = arith.index_cast %mul3A_182 : i32 to index
        %get3A_183 = tpu.vector_load %arg10[%get3A] {strides = array<i32>} : memref<1024xi32, #tpu.memory_space<vmem>>, vector<16xi32>,
        %get3A_184 = vector.shape_cast %get3A_183 : vector<16xi32> to vector<16xi32>
        %sub3A = vector.broadcast %mul3A_19 : i32 to vector<16xi32>
        %sub3A_185 = arith.subi %get3A_184, %sub3A : vector<16xi32>
        %mul3A_186 = arith.constant 16 : i32
        %mul3A_187 = arith.muli %scan3A_180, %mul3A_186 : i32
        %get3A_188 = arith.index_cast %mul3A_187 : i32 to index
        %get3A_189 = tpu.vector_load %arg12[%get3A_188] {strides = array<i32>} : memref<1024xi32, #tpu.memory_space<vmem>>, vector<16xi32>,
        %get3A_190 = vector.shape_cast %get3A_189 : vector<16xi32> to vector<16xi32>
        %sub3A_191 = vector.broadcast %mul3A_19 : i32 to vector<16xi32>
        %sub3A_192 = arith.subi %get3A_190, %sub3A_191 : vector<16xi32>
        %and3A = arith.constant 8191 : i32
        %and3A_193 = vector.broadcast %and3A : i32 to vector<16xi32>
        %and3A_194 = arith.andi %sub3A_185, %and3A_193 : vector<16xi32>
        %add3A_195 = arith.constant 1572864 : i32
        %add3A_196 = vector.broadcast %add3A_195 : i32 to vector<16xi32>
        %add3A_197 = arith.addi %add3A_196, %and3A_194 : vector<16xi32>
        %and3A_198 = arith.constant 8191 : i32
        %and3A_199 = vector.broadcast %and3A_198 : i32 to vector<16xi32>
        %and3A_200 = arith.andi %sub3A_192, %and3A_199 : vector<16xi32>
        %add3A_201 = arith.constant 1572864 : i32
        %add3A_202 = vector.broadcast %add3A_201 : i32 to vector<16xi32>
        %add3A_203 = arith.addi %add3A_202, %and3A_200 : vector<16xi32>
        %bitcast3A = vector.bitcast %sub3A_185 : vector<16xi32> to vector<16xi32>
        %lt3A_204 = vector.broadcast %scan3A_27 : i32 to vector<16xi32>
        %lt3A_205 = arith.cmpi ult, %bitcast3A, %lt3A_204 : vector<16xi32>
        %bitcast3A_206 = vector.bitcast %sub3A_192 : vector<16xi32> to vector<16xi32>
        %lt3A_207 = vector.broadcast %scan3A_27 : i32 to vector<16xi32>
        %lt3A_208 = arith.cmpi ult, %bitcast3A_206, %lt3A_207 : vector<16xi32>
        %select_n3A = arith.select %lt3A_205, %sub3A_185, %add3A_197 : vector<16xi1>, vector<16xi32>
        %mul3A_209 = arith.constant 16 : i32
        %mul3A_210 = arith.muli %scan3A_180, %mul3A_209 : i32
        %swap3A = arith.index_cast %mul3A_210 : i32 to index
        %swap3A_211 = tpu.vector_load %arg16[%swap3A] {strides = array<i32>} : memref<2048xi32, #tpu.memory_space<vmem>>, vector<16xi32>,
        %swap3A_212 = vector.shape_cast %swap3A_211 : vector<16xi32> to vector<16xi32>
        %swap3A_213 = vector.shape_cast %select_n3A : vector<16xi32> to vector<16xi32>
        tpu.vector_store %arg16[%swap3A], %swap3A_213 {strides = array<i32>} : memref<2048xi32, #tpu.memory_space<vmem>>, vector<16xi32>,
        %select_n3A_214 = arith.select %lt3A_208, %sub3A_192, %add3A_203 : vector<16xi1>, vector<16xi32>
        %mul3A_215 = arith.constant 16 : i32
        %mul3A_216 = arith.muli %scan3A_180, %mul3A_215 : i32
        %add3A_217 = arith.constant 1024 : i32
        %add3A_218 = arith.addi %add3A_217, %mul3A_216 : i32
        %swap3A_219 = arith.index_cast %add3A_218 : i32 to index
        %swap3A_220 = tpu.vector_load %arg16[%swap3A_219] {strides = array<i32>} : memref<2048xi32, #tpu.memory_space<vmem>>, vector<16xi32>,
        %swap3A_221 = vector.shape_cast %swap3A_220 : vector<16xi32> to vector<16xi32>
        %swap3A_222 = vector.shape_cast %select_n3A_214 : vector<16xi32> to vector<16xi32>
        tpu.vector_store %arg16[%swap3A_219], %swap3A_222 {strides = array<i32>} : memref<2048xi32, #tpu.memory_space<vmem>>, vector<16xi32>,
      }
      %scan3A_177 = arith.constant 64 : i32
      %dma_start3A_178 = arith.constant 0 : i32
      %dma_start3A_179 = tpu.memref_slice %arg25[%dma_start3A_178] : memref<1581056xf32, #tpu.memory_space<vmem_shared>> -> memref<1581056xf32, #tpu.memory_space<vmem_shared>>
      tpu.enqueue_indirect_dma source(%arg19 : memref<2048xf32, #tpu.memory_space<vmem>>) target(%dma_start3A_179 : memref<1581056xf32, #tpu.memory_space<vmem_shared>>) offsets(%arg16 : memref<2048xi32, #tpu.memory_space<vmem>>) semaphore(%arg24 : memref<!tpu.dma_semaphore, #tpu.memory_space<semaphore_mem>>) {add = true}
    }
    %scan3A_32 = arith.constant 62 : i32
    %dma_wait3A = arith.constant 0 : i32
    %dma_wait3A_33 = tpu.memref_slice %arg25[%dma_wait3A] : memref<1581056xf32, #tpu.memory_space<vmem_shared>> -> memref<1581056xf32, #tpu.memory_space<vmem_shared>>
    tpu.wait_indirect_dma semaphore(%arg23 : memref<!tpu.dma_semaphore, #tpu.memory_space<semaphore_mem>>) src(%arg19 : memref<2048xf32, #tpu.memory_space<vmem>>) dst(%dma_wait3A_33 : memref<1581056xf32, #tpu.memory_space<vmem_shared>>)
    %dma_wait3A_34 = arith.constant 0 : i32
    %dma_wait3A_35 = tpu.memref_slice %arg25[%dma_wait3A_34] : memref<1581056xf32, #tpu.memory_space<vmem_shared>> -> memref<1581056xf32, #tpu.memory_space<vmem_shared>>
    tpu.wait_indirect_dma semaphore(%arg24 : memref<!tpu.dma_semaphore, #tpu.memory_space<semaphore_mem>>) src(%arg19 : memref<2048xf32, #tpu.memory_space<vmem>>) dst(%dma_wait3A_35 : memref<1581056xf32, #tpu.memory_space<vmem_shared>>)
    %barrier3A_36 = arith.constant 0 : index
    tpu.barrier barrier_id(%barrier3A_36)
    %mul3A_37 = arith.constant 98304 : i32
    %mul3A_38 = arith.muli %arg1, %mul3A_37 : i32
    %mul3A_39 = arith.constant 98304 : i32
    %mul3A_40 = arith.muli %arg1, %mul3A_39 : i32
    %add3A_41 = arith.addi %mul3A_12, %mul3A_40 : i32
    "tpu.region"() ({
      %run_scoped3A = tpu.sem_alloc : memref<!tpu.dma_semaphore, #tpu.memory_space<semaphore_mem>>
      %dma_start3A_119 = tpu.memref_slice %arg7[%add3A_41] : memref<6291456xf32, #tpu.memory_space<hbm>> -> memref<98304xf32, #tpu.memory_space<hbm>>
      %dma_start3A_120 = tpu.memref_slice %arg25[%mul3A_38] : memref<1581056xf32, #tpu.memory_space<vmem_shared>> -> memref<98304xf32, #tpu.memory_space<vmem_shared>>
      tpu.enqueue_dma source(%dma_start3A_120 : memref<98304xf32, #tpu.memory_space<vmem_shared>>) target(%dma_start3A_119 : memref<98304xf32, #tpu.memory_space<hbm>>) target_semaphore(%run_scoped3A : memref<!tpu.dma_semaphore, #tpu.memory_space<semaphore_mem>>)
      %dma_wait3A_121 = tpu.memref_slice %arg7[%add3A_41] : memref<6291456xf32, #tpu.memory_space<hbm>> -> memref<98304xf32, #tpu.memory_space<hbm>>
      %dma_wait3A_122 = tpu.memref_slice %arg25[%mul3A_38] : memref<1581056xf32, #tpu.memory_space<vmem_shared>> -> memref<98304xf32, #tpu.memory_space<vmem_shared>>
      tpu.wait_dma2 semaphore(%run_scoped3A : memref<!tpu.dma_semaphore, #tpu.memory_space<semaphore_mem>>) src(%dma_wait3A_122 : memref<98304xf32, #tpu.memory_space<vmem_shared>>) dst(%dma_wait3A_121 : memref<98304xf32, #tpu.memory_space<hbm>>)
      tpu.yield
    }) : () -> ()
    %barrier3A_42 = arith.constant 0 : index
    tpu.barrier barrier_id(%barrier3A_42)
    %mul3A_43 = arith.constant 2 : i32
    %mul3A_44 = arith.muli %arg0, %mul3A_43 : i32
    %add3A_45 = arith.constant 1 : i32
    %add3A_46 = arith.addi %mul3A_44, %add3A_45 : i32
    %mul3A_47 = arith.constant 1572864 : i32
    %mul3A_48 = arith.muli %add3A_46, %mul3A_47 : i32
    %scan3A_49 = arith.constant 0 : i32
    %scan3A_50 = arith.constant 24 : i32
    %scan3A_51 = arith.addi %scan3A_49, %scan3A_50 : i32
    %scan3A_52 = arith.constant 1 : i32
    scf.for %scan3A_119 = %scan3A_49 to %scan3A_51 step %scan3A_52  : i32 {
      %mul3A_120 = arith.constant 98304 : i32
      %mul3A_121 = arith.muli %arg1, %mul3A_120 : i32
      %mul3A_122 = arith.constant 4096 : i32
      %mul3A_123 = arith.muli %scan3A_119, %mul3A_122 : i32
      %add3A_124 = arith.addi %mul3A_121, %mul3A_123 : i32
      "tpu.region"() ({
        %run_scoped3A = tpu.sem_alloc : memref<!tpu.dma_semaphore, #tpu.memory_space<semaphore_mem>>
        %dma_start3A_125 = tpu.memref_slice %arg25[%add3A_124] : memref<1581056xf32, #tpu.memory_space<vmem_shared>> -> memref<4096xf32, #tpu.memory_space<vmem_shared>>
        %dma_start3A_126 = tpu.memref_slice %arg25[%add3A_124] : memref<1581056xf32, #tpu.memory_space<vmem_shared>> -> memref<4096xf32, #tpu.memory_space<vmem_shared>>
        tpu.enqueue_dma source(%arg20 : memref<4096xf32, #tpu.memory_space<vmem>>) target(%dma_start3A_126 : memref<4096xf32, #tpu.memory_space<vmem_shared>>) target_semaphore(%run_scoped3A : memref<!tpu.dma_semaphore, #tpu.memory_space<semaphore_mem>>)
        %dma_wait3A_127 = tpu.memref_slice %arg25[%add3A_124] : memref<1581056xf32, #tpu.memory_space<vmem_shared>> -> memref<4096xf32, #tpu.memory_space<vmem_shared>>
        %dma_wait3A_128 = tpu.memref_slice %arg25[%add3A_124] : memref<1581056xf32, #tpu.memory_space<vmem_shared>> -> memref<4096xf32, #tpu.memory_space<vmem_shared>>
        tpu.wait_dma2 semaphore(%run_scoped3A : memref<!tpu.dma_semaphore, #tpu.memory_space<semaphore_mem>>) src(%arg20 : memref<4096xf32, #tpu.memory_space<vmem>>) dst(%dma_wait3A_128 : memref<4096xf32, #tpu.memory_space<vmem_shared>>)
        tpu.yield
      }) : () -> ()
    }
    %scan3A_53 = arith.constant 24 : i32
    %barrier3A_54 = arith.constant 0 : index
    tpu.barrier barrier_id(%barrier3A_54)
    %mul3A_55 = arith.constant 1572864 : i32
    %mul3A_56 = arith.muli %add3A_46, %mul3A_55 : i32
    %mul3A_57 = arith.constant 126976 : i32
    %mul3A_58 = arith.muli %arg1, %mul3A_57 : i32
    %add3A_59 = arith.constant 0 : i32
    %add3A_60 = arith.addi %mul3A_58, %add3A_59 : i32
    %dma_start3A_61 = tpu.memref_slice %arg2[%add3A_60] : memref<2031616xi32, #tpu.memory_space<hbm>> -> memref<1024xi32, #tpu.memory_space<hbm>>
    %dma_start3A_62 = tpu.memref_slice %arg2[%add3A_60] : memref<2031616xi32, #tpu.memory_space<hbm>> -> memref<1024xi32, #tpu.memory_space<hbm>>
    tpu.enqueue_dma source(%dma_start3A_62 : memref<1024xi32, #tpu.memory_space<hbm>>) target(%arg9 : memref<1024xi32, #tpu.memory_space<vmem>>) target_semaphore(%arg21 : memref<!tpu.dma_semaphore, #tpu.memory_space<semaphore_mem>>)
    %dma_start3A_63 = tpu.memref_slice %arg3[%add3A_60] : memref<2031616xi32, #tpu.memory_space<hbm>> -> memref<1024xi32, #tpu.memory_space<hbm>>
    %dma_start3A_64 = tpu.memref_slice %arg3[%add3A_60] : memref<2031616xi32, #tpu.memory_space<hbm>> -> memref<1024xi32, #tpu.memory_space<hbm>>
    tpu.enqueue_dma source(%dma_start3A_64 : memref<1024xi32, #tpu.memory_space<hbm>>) target(%arg11 : memref<1024xi32, #tpu.memory_space<vmem>>) target_semaphore(%arg21 : memref<!tpu.dma_semaphore, #tpu.memory_space<semaphore_mem>>)
    %scan3A_65 = arith.constant 1572864 : i32
    %scan3A_66 = arith.constant 0 : i32
    %scan3A_67 = arith.constant 62 : i32
    %scan3A_68 = arith.addi %scan3A_66, %scan3A_67 : i32
    %scan3A_69 = arith.constant 1 : i32
    scf.for %scan3A_119 = %scan3A_66 to %scan3A_68 step %scan3A_69  : i32 {
      %mul3A_120 = arith.constant 2 : i32
      %mul3A_121 = arith.muli %mul3A_120, %scan3A_119 : i32
      %mul3A_122 = arith.constant 126976 : i32
      %mul3A_123 = arith.muli %arg1, %mul3A_122 : i32
      %mul3A_124 = arith.constant 1024 : i32
      %mul3A_125 = arith.muli %mul3A_121, %mul3A_124 : i32
      %add3A_126 = arith.addi %mul3A_123, %mul3A_125 : i32
      %dma_wait3A_127 = tpu.memref_slice %arg2[%add3A_126] : memref<2031616xi32, #tpu.memory_space<hbm>> -> memref<1024xi32, #tpu.memory_space<hbm>>
      %dma_wait3A_128 = tpu.memref_slice %arg2[%add3A_126] : memref<2031616xi32, #tpu.memory_space<hbm>> -> memref<1024xi32, #tpu.memory_space<hbm>>
      tpu.wait_dma2 semaphore(%arg21 : memref<!tpu.dma_semaphore, #tpu.memory_space<semaphore_mem>>) src(%dma_wait3A_128 : memref<1024xi32, #tpu.memory_space<hbm>>) dst(%arg9 : memref<1024xi32, #tpu.memory_space<vmem>>)
      %dma_wait3A_129 = tpu.memref_slice %arg3[%add3A_126] : memref<2031616xi32, #tpu.memory_space<hbm>> -> memref<1024xi32, #tpu.memory_space<hbm>>
      %dma_wait3A_130 = tpu.memref_slice %arg3[%add3A_126] : memref<2031616xi32, #tpu.memory_space<hbm>> -> memref<1024xi32, #tpu.memory_space<hbm>>
      tpu.wait_dma2 semaphore(%arg21 : memref<!tpu.dma_semaphore, #tpu.memory_space<semaphore_mem>>) src(%dma_wait3A_130 : memref<1024xi32, #tpu.memory_space<hbm>>) dst(%arg11 : memref<1024xi32, #tpu.memory_space<vmem>>)
      %add3A_131 = arith.constant 1 : i32
      %add3A_132 = arith.addi %mul3A_121, %add3A_131 : i32
      %mul3A_133 = arith.constant 126976 : i32
      %mul3A_134 = arith.muli %arg1, %mul3A_133 : i32
      %mul3A_135 = arith.constant 1024 : i32
      %mul3A_136 = arith.muli %add3A_132, %mul3A_135 : i32
      %add3A_137 = arith.addi %mul3A_134, %mul3A_136 : i32
      %dma_start3A_138 = tpu.memref_slice %arg2[%add3A_137] : memref<2031616xi32, #tpu.memory_space<hbm>> -> memref<1024xi32, #tpu.memory_space<hbm>>
      %dma_start3A_139 = tpu.memref_slice %arg2[%add3A_137] : memref<2031616xi32, #tpu.memory_space<hbm>> -> memref<1024xi32, #tpu.memory_space<hbm>>
      tpu.enqueue_dma source(%dma_start3A_139 : memref<1024xi32, #tpu.memory_space<hbm>>) target(%arg10 : memref<1024xi32, #tpu.memory_space<vmem>>) target_semaphore(%arg22 : memref<!tpu.dma_semaphore, #tpu.memory_space<semaphore_mem>>)
      %dma_start3A_140 = tpu.memref_slice %arg3[%add3A_137] : memref<2031616xi32, #tpu.memory_space<hbm>> -> memref<1024xi32, #tpu.memory_space<hbm>>
      %dma_start3A_141 = tpu.memref_slice %arg3[%add3A_137] : memref<2031616xi32, #tpu.memory_space<hbm>> -> memref<1024xi32, #tpu.memory_space<hbm>>
      tpu.enqueue_dma source(%dma_start3A_141 : memref<1024xi32, #tpu.memory_space<hbm>>) target(%arg12 : memref<1024xi32, #tpu.memory_space<vmem>>) target_semaphore(%arg22 : memref<!tpu.dma_semaphore, #tpu.memory_space<semaphore_mem>>)
      %gt3A = arith.constant 0 : i32
      %gt3A_142 = arith.cmpi sgt, %scan3A_119, %gt3A : i32
      %convert_element_type3A = arith.extui %gt3A_142 : i1 to i32
      %cond3A = arith.constant 0 : i32
      %cond3A_143 = arith.cmpi ne, %convert_element_type3A, %cond3A : i32
      scf.if %cond3A_143 {
        %dma_wait3A_180 = arith.constant 0 : i32
        %dma_wait3A_181 = tpu.memref_slice %arg25[%dma_wait3A_180] : memref<1581056xf32, #tpu.memory_space<vmem_shared>> -> memref<1581056xf32, #tpu.memory_space<vmem_shared>>
        tpu.wait_indirect_dma semaphore(%arg23 : memref<!tpu.dma_semaphore, #tpu.memory_space<semaphore_mem>>) src(%arg19 : memref<2048xf32, #tpu.memory_space<vmem>>) dst(%dma_wait3A_181 : memref<1581056xf32, #tpu.memory_space<vmem_shared>>)
      } else {
      }
      %scan3A_144 = arith.constant 0 : i32
      %scan3A_145 = arith.constant 64 : i32
      %scan3A_146 = arith.addi %scan3A_144, %scan3A_145 : i32
      %scan3A_147 = arith.constant 1 : i32
      scf.for %scan3A_180 = %scan3A_144 to %scan3A_146 step %scan3A_147  : i32 {
        %mul3A_181 = arith.constant 16 : i32
        %mul3A_182 = arith.muli %scan3A_180, %mul3A_181 : i32
        %get3A = arith.index_cast %mul3A_182 : i32 to index
        %get3A_183 = tpu.vector_load %arg9[%get3A] {strides = array<i32>} : memref<1024xi32, #tpu.memory_space<vmem>>, vector<16xi32>,
        %get3A_184 = vector.shape_cast %get3A_183 : vector<16xi32> to vector<16xi32>
        %sub3A = vector.broadcast %mul3A_56 : i32 to vector<16xi32>
        %sub3A_185 = arith.subi %get3A_184, %sub3A : vector<16xi32>
        %mul3A_186 = arith.constant 16 : i32
        %mul3A_187 = arith.muli %scan3A_180, %mul3A_186 : i32
        %get3A_188 = arith.index_cast %mul3A_187 : i32 to index
        %get3A_189 = tpu.vector_load %arg11[%get3A_188] {strides = array<i32>} : memref<1024xi32, #tpu.memory_space<vmem>>, vector<16xi32>,
        %get3A_190 = vector.shape_cast %get3A_189 : vector<16xi32> to vector<16xi32>
        %sub3A_191 = vector.broadcast %mul3A_56 : i32 to vector<16xi32>
        %sub3A_192 = arith.subi %get3A_190, %sub3A_191 : vector<16xi32>
        %and3A = arith.constant 8191 : i32
        %and3A_193 = vector.broadcast %and3A : i32 to vector<16xi32>
        %and3A_194 = arith.andi %sub3A_185, %and3A_193 : vector<16xi32>
        %add3A_195 = arith.constant 1572864 : i32
        %add3A_196 = vector.broadcast %add3A_195 : i32 to vector<16xi32>
        %add3A_197 = arith.addi %add3A_196, %and3A_194 : vector<16xi32>
        %and3A_198 = arith.constant 8191 : i32
        %and3A_199 = vector.broadcast %and3A_198 : i32 to vector<16xi32>
        %and3A_200 = arith.andi %sub3A_192, %and3A_199 : vector<16xi32>
        %add3A_201 = arith.constant 1572864 : i32
        %add3A_202 = vector.broadcast %add3A_201 : i32 to vector<16xi32>
        %add3A_203 = arith.addi %add3A_202, %and3A_200 : vector<16xi32>
        %bitcast3A = vector.bitcast %sub3A_185 : vector<16xi32> to vector<16xi32>
        %lt3A_204 = vector.broadcast %scan3A_65 : i32 to vector<16xi32>
        %lt3A_205 = arith.cmpi ult, %bitcast3A, %lt3A_204 : vector<16xi32>
        %bitcast3A_206 = vector.bitcast %sub3A_192 : vector<16xi32> to vector<16xi32>
        %lt3A_207 = vector.broadcast %scan3A_65 : i32 to vector<16xi32>
        %lt3A_208 = arith.cmpi ult, %bitcast3A_206, %lt3A_207 : vector<16xi32>
        %select_n3A = arith.select %lt3A_205, %sub3A_185, %add3A_197 : vector<16xi1>, vector<16xi32>
        %mul3A_209 = arith.constant 16 : i32
        %mul3A_210 = arith.muli %scan3A_180, %mul3A_209 : i32
        %swap3A = arith.index_cast %mul3A_210 : i32 to index
        %swap3A_211 = tpu.vector_load %arg15[%swap3A] {strides = array<i32>} : memref<2048xi32, #tpu.memory_space<vmem>>, vector<16xi32>,
        %swap3A_212 = vector.shape_cast %swap3A_211 : vector<16xi32> to vector<16xi32>
        %swap3A_213 = vector.shape_cast %select_n3A : vector<16xi32> to vector<16xi32>
        tpu.vector_store %arg15[%swap3A], %swap3A_213 {strides = array<i32>} : memref<2048xi32, #tpu.memory_space<vmem>>, vector<16xi32>,
        %select_n3A_214 = arith.select %lt3A_208, %sub3A_192, %add3A_203 : vector<16xi1>, vector<16xi32>
        %mul3A_215 = arith.constant 16 : i32
        %mul3A_216 = arith.muli %scan3A_180, %mul3A_215 : i32
        %add3A_217 = arith.constant 1024 : i32
        %add3A_218 = arith.addi %add3A_217, %mul3A_216 : i32
        %swap3A_219 = arith.index_cast %add3A_218 : i32 to index
        %swap3A_220 = tpu.vector_load %arg15[%swap3A_219] {strides = array<i32>} : memref<2048xi32, #tpu.memory_space<vmem>>, vector<16xi32>,
        %swap3A_221 = vector.shape_cast %swap3A_220 : vector<16xi32> to vector<16xi32>
        %swap3A_222 = vector.shape_cast %select_n3A_214 : vector<16xi32> to vector<16xi32>
        tpu.vector_store %arg15[%swap3A_219], %swap3A_222 {strides = array<i32>} : memref<2048xi32, #tpu.memory_space<vmem>>, vector<16xi32>,
      }
      %scan3A_148 = arith.constant 64 : i32
      %dma_start3A_149 = arith.constant 0 : i32
      %dma_start3A_150 = tpu.memref_slice %arg25[%dma_start3A_149] : memref<1581056xf32, #tpu.memory_space<vmem_shared>> -> memref<1581056xf32, #tpu.memory_space<vmem_shared>>
      tpu.enqueue_indirect_dma source(%arg19 : memref<2048xf32, #tpu.memory_space<vmem>>) target(%dma_start3A_150 : memref<1581056xf32, #tpu.memory_space<vmem_shared>>) offsets(%arg15 : memref<2048xi32, #tpu.memory_space<vmem>>) semaphore(%arg23 : memref<!tpu.dma_semaphore, #tpu.memory_space<semaphore_mem>>) {add = true}
      %add3A_151 = arith.constant 1 : i32
      %add3A_152 = arith.addi %mul3A_121, %add3A_151 : i32
      %mul3A_153 = arith.constant 126976 : i32
      %mul3A_154 = arith.muli %arg1, %mul3A_153 : i32
      %mul3A_155 = arith.constant 1024 : i32
      %mul3A_156 = arith.muli %add3A_152, %mul3A_155 : i32
      %add3A_157 = arith.addi %mul3A_154, %mul3A_156 : i32
      %dma_wait3A_158 = tpu.memref_slice %arg2[%add3A_157] : memref<2031616xi32, #tpu.memory_space<hbm>> -> memref<1024xi32, #tpu.memory_space<hbm>>
      %dma_wait3A_159 = tpu.memref_slice %arg2[%add3A_157] : memref<2031616xi32, #tpu.memory_space<hbm>> -> memref<1024xi32, #tpu.memory_space<hbm>>
      tpu.wait_dma2 semaphore(%arg22 : memref<!tpu.dma_semaphore, #tpu.memory_space<semaphore_mem>>) src(%dma_wait3A_159 : memref<1024xi32, #tpu.memory_space<hbm>>) dst(%arg10 : memref<1024xi32, #tpu.memory_space<vmem>>)
      %dma_wait3A_160 = tpu.memref_slice %arg3[%add3A_157] : memref<2031616xi32, #tpu.memory_space<hbm>> -> memref<1024xi32, #tpu.memory_space<hbm>>
      %dma_wait3A_161 = tpu.memref_slice %arg3[%add3A_157] : memref<2031616xi32, #tpu.memory_space<hbm>> -> memref<1024xi32, #tpu.memory_space<hbm>>
      tpu.wait_dma2 semaphore(%arg22 : memref<!tpu.dma_semaphore, #tpu.memory_space<semaphore_mem>>) src(%dma_wait3A_161 : memref<1024xi32, #tpu.memory_space<hbm>>) dst(%arg12 : memref<1024xi32, #tpu.memory_space<vmem>>)
      %add3A_162 = arith.constant 1 : i32
      %add3A_163 = arith.addi %scan3A_119, %add3A_162 : i32
      %lt3A = arith.constant 62 : i32
      %lt3A_164 = arith.cmpi slt, %add3A_163, %lt3A : i32
      %convert_element_type3A_165 = arith.extui %lt3A_164 : i1 to i32
      %cond3A_166 = arith.constant 0 : i32
      %cond3A_167 = arith.cmpi ne, %convert_element_type3A_165, %cond3A_166 : i32
      scf.if %cond3A_167 {
        %add3A_180 = arith.constant 2 : i32
        %add3A_181 = arith.addi %mul3A_121, %add3A_180 : i32
        %mul3A_182 = arith.constant 126976 : i32
        %mul3A_183 = arith.muli %arg1, %mul3A_182 : i32
        %mul3A_184 = arith.constant 1024 : i32
        %mul3A_185 = arith.muli %add3A_181, %mul3A_184 : i32
        %add3A_186 = arith.addi %mul3A_183, %mul3A_185 : i32
        %dma_start3A_187 = tpu.memref_slice %arg2[%add3A_186] : memref<2031616xi32, #tpu.memory_space<hbm>> -> memref<1024xi32, #tpu.memory_space<hbm>>
        %dma_start3A_188 = tpu.memref_slice %arg2[%add3A_186] : memref<2031616xi32, #tpu.memory_space<hbm>> -> memref<1024xi32, #tpu.memory_space<hbm>>
        tpu.enqueue_dma source(%dma_start3A_188 : memref<1024xi32, #tpu.memory_space<hbm>>) target(%arg9 : memref<1024xi32, #tpu.memory_space<vmem>>) target_semaphore(%arg21 : memref<!tpu.dma_semaphore, #tpu.memory_space<semaphore_mem>>)
        %dma_start3A_189 = tpu.memref_slice %arg3[%add3A_186] : memref<2031616xi32, #tpu.memory_space<hbm>> -> memref<1024xi32, #tpu.memory_space<hbm>>
        %dma_start3A_190 = tpu.memref_slice %arg3[%add3A_186] : memref<2031616xi32, #tpu.memory_space<hbm>> -> memref<1024xi32, #tpu.memory_space<hbm>>
        tpu.enqueue_dma source(%dma_start3A_190 : memref<1024xi32, #tpu.memory_space<hbm>>) target(%arg11 : memref<1024xi32, #tpu.memory_space<vmem>>) target_semaphore(%arg21 : memref<!tpu.dma_semaphore, #tpu.memory_space<semaphore_mem>>)
      } else {
      }
      %gt3A_168 = arith.constant 0 : i32
      %gt3A_169 = arith.cmpi sgt, %scan3A_119, %gt3A_168 : i32
      %convert_element_type3A_170 = arith.extui %gt3A_169 : i1 to i32
      %cond3A_171 = arith.constant 0 : i32
      %cond3A_172 = arith.cmpi ne, %convert_element_type3A_170, %cond3A_171 : i32
      scf.if %cond3A_172 {
        %dma_wait3A_180 = arith.constant 0 : i32
        %dma_wait3A_181 = tpu.memref_slice %arg25[%dma_wait3A_180] : memref<1581056xf32, #tpu.memory_space<vmem_shared>> -> memref<1581056xf32, #tpu.memory_space<vmem_shared>>
        tpu.wait_indirect_dma semaphore(%arg24 : memref<!tpu.dma_semaphore, #tpu.memory_space<semaphore_mem>>) src(%arg19 : memref<2048xf32, #tpu.memory_space<vmem>>) dst(%dma_wait3A_181 : memref<1581056xf32, #tpu.memory_space<vmem_shared>>)
      } else {
      }
      %scan3A_173 = arith.constant 0 : i32
      %scan3A_174 = arith.constant 64 : i32
      %scan3A_175 = arith.addi %scan3A_173, %scan3A_174 : i32
      %scan3A_176 = arith.constant 1 : i32
      scf.for %scan3A_180 = %scan3A_173 to %scan3A_175 step %scan3A_176  : i32 {
        %mul3A_181 = arith.constant 16 : i32
        %mul3A_182 = arith.muli %scan3A_180, %mul3A_181 : i32
        %get3A = arith.index_cast %mul3A_182 : i32 to index
        %get3A_183 = tpu.vector_load %arg10[%get3A] {strides = array<i32>} : memref<1024xi32, #tpu.memory_space<vmem>>, vector<16xi32>,
        %get3A_184 = vector.shape_cast %get3A_183 : vector<16xi32> to vector<16xi32>
        %sub3A = vector.broadcast %mul3A_56 : i32 to vector<16xi32>
        %sub3A_185 = arith.subi %get3A_184, %sub3A : vector<16xi32>
        %mul3A_186 = arith.constant 16 : i32
        %mul3A_187 = arith.muli %scan3A_180, %mul3A_186 : i32
        %get3A_188 = arith.index_cast %mul3A_187 : i32 to index
        %get3A_189 = tpu.vector_load %arg12[%get3A_188] {strides = array<i32>} : memref<1024xi32, #tpu.memory_space<vmem>>, vector<16xi32>,
        %get3A_190 = vector.shape_cast %get3A_189 : vector<16xi32> to vector<16xi32>
        %sub3A_191 = vector.broadcast %mul3A_56 : i32 to vector<16xi32>
        %sub3A_192 = arith.subi %get3A_190, %sub3A_191 : vector<16xi32>
        %and3A = arith.constant 8191 : i32
        %and3A_193 = vector.broadcast %and3A : i32 to vector<16xi32>
        %and3A_194 = arith.andi %sub3A_185, %and3A_193 : vector<16xi32>
        %add3A_195 = arith.constant 1572864 : i32
        %add3A_196 = vector.broadcast %add3A_195 : i32 to vector<16xi32>
        %add3A_197 = arith.addi %add3A_196, %and3A_194 : vector<16xi32>
        %and3A_198 = arith.constant 8191 : i32
        %and3A_199 = vector.broadcast %and3A_198 : i32 to vector<16xi32>
        %and3A_200 = arith.andi %sub3A_192, %and3A_199 : vector<16xi32>
        %add3A_201 = arith.constant 1572864 : i32
        %add3A_202 = vector.broadcast %add3A_201 : i32 to vector<16xi32>
        %add3A_203 = arith.addi %add3A_202, %and3A_200 : vector<16xi32>
        %bitcast3A = vector.bitcast %sub3A_185 : vector<16xi32> to vector<16xi32>
        %lt3A_204 = vector.broadcast %scan3A_65 : i32 to vector<16xi32>
        %lt3A_205 = arith.cmpi ult, %bitcast3A, %lt3A_204 : vector<16xi32>
        %bitcast3A_206 = vector.bitcast %sub3A_192 : vector<16xi32> to vector<16xi32>
        %lt3A_207 = vector.broadcast %scan3A_65 : i32 to vector<16xi32>
        %lt3A_208 = arith.cmpi ult, %bitcast3A_206, %lt3A_207 : vector<16xi32>
        %select_n3A = arith.select %lt3A_205, %sub3A_185, %add3A_197 : vector<16xi1>, vector<16xi32>
        %mul3A_209 = arith.constant 16 : i32
        %mul3A_210 = arith.muli %scan3A_180, %mul3A_209 : i32
        %swap3A = arith.index_cast %mul3A_210 : i32 to index
        %swap3A_211 = tpu.vector_load %arg16[%swap3A] {strides = array<i32>} : memref<2048xi32, #tpu.memory_space<vmem>>, vector<16xi32>,
        %swap3A_212 = vector.shape_cast %swap3A_211 : vector<16xi32> to vector<16xi32>
        %swap3A_213 = vector.shape_cast %select_n3A : vector<16xi32> to vector<16xi32>
        tpu.vector_store %arg16[%swap3A], %swap3A_213 {strides = array<i32>} : memref<2048xi32, #tpu.memory_space<vmem>>, vector<16xi32>,
        %select_n3A_214 = arith.select %lt3A_208, %sub3A_192, %add3A_203 : vector<16xi1>, vector<16xi32>
        %mul3A_215 = arith.constant 16 : i32
        %mul3A_216 = arith.muli %scan3A_180, %mul3A_215 : i32
        %add3A_217 = arith.constant 1024 : i32
        %add3A_218 = arith.addi %add3A_217, %mul3A_216 : i32
        %swap3A_219 = arith.index_cast %add3A_218 : i32 to index
        %swap3A_220 = tpu.vector_load %arg16[%swap3A_219] {strides = array<i32>} : memref<2048xi32, #tpu.memory_space<vmem>>, vector<16xi32>,
        %swap3A_221 = vector.shape_cast %swap3A_220 : vector<16xi32> to vector<16xi32>
        %swap3A_222 = vector.shape_cast %select_n3A_214 : vector<16xi32> to vector<16xi32>
        tpu.vector_store %arg16[%swap3A_219], %swap3A_222 {strides = array<i32>} : memref<2048xi32, #tpu.memory_space<vmem>>, vector<16xi32>,
      }
      %scan3A_177 = arith.constant 64 : i32
      %dma_start3A_178 = arith.constant 0 : i32
      %dma_start3A_179 = tpu.memref_slice %arg25[%dma_start3A_178] : memref<1581056xf32, #tpu.memory_space<vmem_shared>> -> memref<1581056xf32, #tpu.memory_space<vmem_shared>>
      tpu.enqueue_indirect_dma source(%arg19 : memref<2048xf32, #tpu.memory_space<vmem>>) target(%dma_start3A_179 : memref<1581056xf32, #tpu.memory_space<vmem_shared>>) offsets(%arg16 : memref<2048xi32, #tpu.memory_space<vmem>>) semaphore(%arg24 : memref<!tpu.dma_semaphore, #tpu.memory_space<semaphore_mem>>) {add = true}
    }
    %scan3A_70 = arith.constant 62 : i32
    %dma_wait3A_71 = arith.constant 0 : i32
    %dma_wait3A_72 = tpu.memref_slice %arg25[%dma_wait3A_71] : memref<1581056xf32, #tpu.memory_space<vmem_shared>> -> memref<1581056xf32, #tpu.memory_space<vmem_shared>>
    tpu.wait_indirect_dma semaphore(%arg23 : memref<!tpu.dma_semaphore, #tpu.memory_space<semaphore_mem>>) src(%arg19 : memref<2048xf32, #tpu.memory_space<vmem>>) dst(%dma_wait3A_72 : memref<1581056xf32, #tpu.memory_space<vmem_shared>>)
    %dma_wait3A_73 = arith.constant 0 : i32
    %dma_wait3A_74 = tpu.memref_slice %arg25[%dma_wait3A_73] : memref<1581056xf32, #tpu.memory_space<vmem_shared>> -> memref<1581056xf32, #tpu.memory_space<vmem_shared>>
    tpu.wait_indirect_dma semaphore(%arg24 : memref<!tpu.dma_semaphore, #tpu.memory_space<semaphore_mem>>) src(%arg19 : memref<2048xf32, #tpu.memory_space<vmem>>) dst(%dma_wait3A_74 : memref<1581056xf32, #tpu.memory_space<vmem_shared>>)
    %barrier3A_75 = arith.constant 0 : index
    tpu.barrier barrier_id(%barrier3A_75)
    %mul3A_76 = arith.constant 98304 : i32
    %mul3A_77 = arith.muli %arg1, %mul3A_76 : i32
    %mul3A_78 = arith.constant 98304 : i32
    %mul3A_79 = arith.muli %arg1, %mul3A_78 : i32
    %add3A_80 = arith.addi %mul3A_48, %mul3A_79 : i32
    "tpu.region"() ({
      %run_scoped3A = tpu.sem_alloc : memref<!tpu.dma_semaphore, #tpu.memory_space<semaphore_mem>>
      %dma_start3A_119 = tpu.memref_slice %arg7[%add3A_80] : memref<6291456xf32, #tpu.memory_space<hbm>> -> memref<98304xf32, #tpu.memory_space<hbm>>
      %dma_start3A_120 = tpu.memref_slice %arg25[%mul3A_77] : memref<1581056xf32, #tpu.memory_space<vmem_shared>> -> memref<98304xf32, #tpu.memory_space<vmem_shared>>
      tpu.enqueue_dma source(%dma_start3A_120 : memref<98304xf32, #tpu.memory_space<vmem_shared>>) target(%dma_start3A_119 : memref<98304xf32, #tpu.memory_space<hbm>>) target_semaphore(%run_scoped3A : memref<!tpu.dma_semaphore, #tpu.memory_space<semaphore_mem>>)
      %dma_wait3A_121 = tpu.memref_slice %arg7[%add3A_80] : memref<6291456xf32, #tpu.memory_space<hbm>> -> memref<98304xf32, #tpu.memory_space<hbm>>
      %dma_wait3A_122 = tpu.memref_slice %arg25[%mul3A_77] : memref<1581056xf32, #tpu.memory_space<vmem_shared>> -> memref<98304xf32, #tpu.memory_space<vmem_shared>>
      tpu.wait_dma2 semaphore(%run_scoped3A : memref<!tpu.dma_semaphore, #tpu.memory_space<semaphore_mem>>) src(%dma_wait3A_122 : memref<98304xf32, #tpu.memory_space<vmem_shared>>) dst(%dma_wait3A_121 : memref<98304xf32, #tpu.memory_space<hbm>>)
      tpu.yield
    }) : () -> ()
    %barrier3A_81 = arith.constant 0 : index
    tpu.barrier barrier_id(%barrier3A_81)
    %mul3A_82 = arith.constant 1048576 : i32
    %mul3A_83 = arith.muli %arg0, %mul3A_82 : i32
    %scan3A_84 = arith.constant 0 : i32
    %scan3A_85 = arith.constant 16 : i32
    %scan3A_86 = arith.addi %scan3A_84, %scan3A_85 : i32
    %scan3A_87 = arith.constant 1 : i32
    scf.for %scan3A_119 = %scan3A_84 to %scan3A_86 step %scan3A_87  : i32 {
      %mul3A_120 = arith.constant 65536 : i32
      %mul3A_121 = arith.muli %arg1, %mul3A_120 : i32
      %mul3A_122 = arith.constant 4096 : i32
      %mul3A_123 = arith.muli %scan3A_119, %mul3A_122 : i32
      %add3A_124 = arith.addi %mul3A_121, %mul3A_123 : i32
      "tpu.region"() ({
        %run_scoped3A = tpu.sem_alloc : memref<!tpu.dma_semaphore, #tpu.memory_space<semaphore_mem>>
        %dma_start3A_125 = tpu.memref_slice %arg25[%add3A_124] : memref<1581056xf32, #tpu.memory_space<vmem_shared>> -> memref<4096xf32, #tpu.memory_space<vmem_shared>>
        %dma_start3A_126 = tpu.memref_slice %arg25[%add3A_124] : memref<1581056xf32, #tpu.memory_space<vmem_shared>> -> memref<4096xf32, #tpu.memory_space<vmem_shared>>
        tpu.enqueue_dma source(%arg20 : memref<4096xf32, #tpu.memory_space<vmem>>) target(%dma_start3A_126 : memref<4096xf32, #tpu.memory_space<vmem_shared>>) target_semaphore(%run_scoped3A : memref<!tpu.dma_semaphore, #tpu.memory_space<semaphore_mem>>)
        %dma_wait3A_127 = tpu.memref_slice %arg25[%add3A_124] : memref<1581056xf32, #tpu.memory_space<vmem_shared>> -> memref<4096xf32, #tpu.memory_space<vmem_shared>>
        %dma_wait3A_128 = tpu.memref_slice %arg25[%add3A_124] : memref<1581056xf32, #tpu.memory_space<vmem_shared>> -> memref<4096xf32, #tpu.memory_space<vmem_shared>>
        tpu.wait_dma2 semaphore(%run_scoped3A : memref<!tpu.dma_semaphore, #tpu.memory_space<semaphore_mem>>) src(%arg20 : memref<4096xf32, #tpu.memory_space<vmem>>) dst(%dma_wait3A_128 : memref<4096xf32, #tpu.memory_space<vmem_shared>>)
        tpu.yield
      }) : () -> ()
    }
    %scan3A_88 = arith.constant 16 : i32
    %barrier3A_89 = arith.constant 0 : index
    tpu.barrier barrier_id(%barrier3A_89)
    %mul3A_90 = arith.constant 1048576 : i32
    %mul3A_91 = arith.muli %arg0, %mul3A_90 : i32
    %mul3A_92 = arith.constant 126976 : i32
    %mul3A_93 = arith.muli %arg1, %mul3A_92 : i32
    %add3A_94 = arith.constant 0 : i32
    %add3A_95 = arith.addi %mul3A_93, %add3A_94 : i32
    %dma_start3A_96 = tpu.memref_slice %arg4[%add3A_95] : memref<2031616xi32, #tpu.memory_space<hbm>> -> memref<1024xi32, #tpu.memory_space<hbm>>
    %dma_start3A_97 = tpu.memref_slice %arg4[%add3A_95] : memref<2031616xi32, #tpu.memory_space<hbm>> -> memref<1024xi32, #tpu.memory_space<hbm>>
    tpu.enqueue_dma source(%dma_start3A_97 : memref<1024xi32, #tpu.memory_space<hbm>>) target(%arg9 : memref<1024xi32, #tpu.memory_space<vmem>>) target_semaphore(%arg21 : memref<!tpu.dma_semaphore, #tpu.memory_space<semaphore_mem>>)
    %dma_start3A_98 = tpu.memref_slice %arg5[%add3A_95] : memref<2031616xi32, #tpu.memory_space<hbm>> -> memref<1024xi32, #tpu.memory_space<hbm>>
    %dma_start3A_99 = tpu.memref_slice %arg5[%add3A_95] : memref<2031616xi32, #tpu.memory_space<hbm>> -> memref<1024xi32, #tpu.memory_space<hbm>>
    tpu.enqueue_dma source(%dma_start3A_99 : memref<1024xi32, #tpu.memory_space<hbm>>) target(%arg11 : memref<1024xi32, #tpu.memory_space<vmem>>) target_semaphore(%arg21 : memref<!tpu.dma_semaphore, #tpu.memory_space<semaphore_mem>>)
    %dma_start3A_100 = tpu.memref_slice %arg6[%add3A_95] : memref<2031616xf32, #tpu.memory_space<hbm>> -> memref<1024xf32, #tpu.memory_space<hbm>>
    %dma_start3A_101 = tpu.memref_slice %arg6[%add3A_95] : memref<2031616xf32, #tpu.memory_space<hbm>> -> memref<1024xf32, #tpu.memory_space<hbm>>
    tpu.enqueue_dma source(%dma_start3A_101 : memref<1024xf32, #tpu.memory_space<hbm>>) target(%arg13 : memref<1024xf32, #tpu.memory_space<vmem>>) target_semaphore(%arg21 : memref<!tpu.dma_semaphore, #tpu.memory_space<semaphore_mem>>)
    %scan3A_102 = arith.constant 1048576 : i32
    %scan3A_103 = arith.constant 0 : i32
    %scan3A_104 = arith.constant 62 : i32
    %scan3A_105 = arith.addi %scan3A_103, %scan3A_104 : i32
    %scan3A_106 = arith.constant 1 : i32
    scf.for %scan3A_119 = %scan3A_103 to %scan3A_105 step %scan3A_106  : i32 {
      %mul3A_120 = arith.constant 2 : i32
      %mul3A_121 = arith.muli %mul3A_120, %scan3A_119 : i32
      %mul3A_122 = arith.constant 126976 : i32
      %mul3A_123 = arith.muli %arg1, %mul3A_122 : i32
      %mul3A_124 = arith.constant 1024 : i32
      %mul3A_125 = arith.muli %mul3A_121, %mul3A_124 : i32
      %add3A_126 = arith.addi %mul3A_123, %mul3A_125 : i32
      %dma_wait3A_127 = tpu.memref_slice %arg4[%add3A_126] : memref<2031616xi32, #tpu.memory_space<hbm>> -> memref<1024xi32, #tpu.memory_space<hbm>>
      %dma_wait3A_128 = tpu.memref_slice %arg4[%add3A_126] : memref<2031616xi32, #tpu.memory_space<hbm>> -> memref<1024xi32, #tpu.memory_space<hbm>>
      tpu.wait_dma2 semaphore(%arg21 : memref<!tpu.dma_semaphore, #tpu.memory_space<semaphore_mem>>) src(%dma_wait3A_128 : memref<1024xi32, #tpu.memory_space<hbm>>) dst(%arg9 : memref<1024xi32, #tpu.memory_space<vmem>>)
      %dma_wait3A_129 = tpu.memref_slice %arg5[%add3A_126] : memref<2031616xi32, #tpu.memory_space<hbm>> -> memref<1024xi32, #tpu.memory_space<hbm>>
      %dma_wait3A_130 = tpu.memref_slice %arg5[%add3A_126] : memref<2031616xi32, #tpu.memory_space<hbm>> -> memref<1024xi32, #tpu.memory_space<hbm>>
      tpu.wait_dma2 semaphore(%arg21 : memref<!tpu.dma_semaphore, #tpu.memory_space<semaphore_mem>>) src(%dma_wait3A_130 : memref<1024xi32, #tpu.memory_space<hbm>>) dst(%arg11 : memref<1024xi32, #tpu.memory_space<vmem>>)
      %dma_wait3A_131 = tpu.memref_slice %arg6[%add3A_126] : memref<2031616xf32, #tpu.memory_space<hbm>> -> memref<1024xf32, #tpu.memory_space<hbm>>
      %dma_wait3A_132 = tpu.memref_slice %arg6[%add3A_126] : memref<2031616xf32, #tpu.memory_space<hbm>> -> memref<1024xf32, #tpu.memory_space<hbm>>
      tpu.wait_dma2 semaphore(%arg21 : memref<!tpu.dma_semaphore, #tpu.memory_space<semaphore_mem>>) src(%dma_wait3A_132 : memref<1024xf32, #tpu.memory_space<hbm>>) dst(%arg13 : memref<1024xf32, #tpu.memory_space<vmem>>)
      %add3A_133 = arith.constant 1 : i32
      %add3A_134 = arith.addi %mul3A_121, %add3A_133 : i32
      %mul3A_135 = arith.constant 126976 : i32
      %mul3A_136 = arith.muli %arg1, %mul3A_135 : i32
      %mul3A_137 = arith.constant 1024 : i32
      %mul3A_138 = arith.muli %add3A_134, %mul3A_137 : i32
      %add3A_139 = arith.addi %mul3A_136, %mul3A_138 : i32
      %dma_start3A_140 = tpu.memref_slice %arg4[%add3A_139] : memref<2031616xi32, #tpu.memory_space<hbm>> -> memref<1024xi32, #tpu.memory_space<hbm>>
      %dma_start3A_141 = tpu.memref_slice %arg4[%add3A_139] : memref<2031616xi32, #tpu.memory_space<hbm>> -> memref<1024xi32, #tpu.memory_space<hbm>>
      tpu.enqueue_dma source(%dma_start3A_141 : memref<1024xi32, #tpu.memory_space<hbm>>) target(%arg10 : memref<1024xi32, #tpu.memory_space<vmem>>) target_semaphore(%arg22 : memref<!tpu.dma_semaphore, #tpu.memory_space<semaphore_mem>>)
      %dma_start3A_142 = tpu.memref_slice %arg5[%add3A_139] : memref<2031616xi32, #tpu.memory_space<hbm>> -> memref<1024xi32, #tpu.memory_space<hbm>>
      %dma_start3A_143 = tpu.memref_slice %arg5[%add3A_139] : memref<2031616xi32, #tpu.memory_space<hbm>> -> memref<1024xi32, #tpu.memory_space<hbm>>
      tpu.enqueue_dma source(%dma_start3A_143 : memref<1024xi32, #tpu.memory_space<hbm>>) target(%arg12 : memref<1024xi32, #tpu.memory_space<vmem>>) target_semaphore(%arg22 : memref<!tpu.dma_semaphore, #tpu.memory_space<semaphore_mem>>)
      %dma_start3A_144 = tpu.memref_slice %arg6[%add3A_139] : memref<2031616xf32, #tpu.memory_space<hbm>> -> memref<1024xf32, #tpu.memory_space<hbm>>
      %dma_start3A_145 = tpu.memref_slice %arg6[%add3A_139] : memref<2031616xf32, #tpu.memory_space<hbm>> -> memref<1024xf32, #tpu.memory_space<hbm>>
      tpu.enqueue_dma source(%dma_start3A_145 : memref<1024xf32, #tpu.memory_space<hbm>>) target(%arg14 : memref<1024xf32, #tpu.memory_space<vmem>>) target_semaphore(%arg22 : memref<!tpu.dma_semaphore, #tpu.memory_space<semaphore_mem>>)
      %gt3A = arith.constant 0 : i32
      %gt3A_146 = arith.cmpi sgt, %scan3A_119, %gt3A : i32
      %convert_element_type3A = arith.extui %gt3A_146 : i1 to i32
      %cond3A = arith.constant 0 : i32
      %cond3A_147 = arith.cmpi ne, %convert_element_type3A, %cond3A : i32
      scf.if %cond3A_147 {
        %dma_wait3A_186 = arith.constant 0 : i32
        %dma_wait3A_187 = tpu.memref_slice %arg25[%dma_wait3A_186] : memref<1581056xf32, #tpu.memory_space<vmem_shared>> -> memref<1581056xf32, #tpu.memory_space<vmem_shared>>
        tpu.wait_indirect_dma semaphore(%arg23 : memref<!tpu.dma_semaphore, #tpu.memory_space<semaphore_mem>>) src(%arg17 : memref<2048xf32, #tpu.memory_space<vmem>>) dst(%dma_wait3A_187 : memref<1581056xf32, #tpu.memory_space<vmem_shared>>)
      } else {
      }
      %scan3A_148 = arith.constant 0 : i32
      %scan3A_149 = arith.constant 64 : i32
      %scan3A_150 = arith.addi %scan3A_148, %scan3A_149 : i32
      %scan3A_151 = arith.constant 1 : i32
      scf.for %scan3A_186 = %scan3A_148 to %scan3A_150 step %scan3A_151  : i32 {
        %mul3A_187 = arith.constant 16 : i32
        %mul3A_188 = arith.muli %scan3A_186, %mul3A_187 : i32
        %get3A = arith.index_cast %mul3A_188 : i32 to index
        %get3A_189 = tpu.vector_load %arg9[%get3A] {strides = array<i32>} : memref<1024xi32, #tpu.memory_space<vmem>>, vector<16xi32>,
        %get3A_190 = vector.shape_cast %get3A_189 : vector<16xi32> to vector<16xi32>
        %sub3A = vector.broadcast %mul3A_91 : i32 to vector<16xi32>
        %sub3A_191 = arith.subi %get3A_190, %sub3A : vector<16xi32>
        %mul3A_192 = arith.constant 16 : i32
        %mul3A_193 = arith.muli %scan3A_186, %mul3A_192 : i32
        %get3A_194 = arith.index_cast %mul3A_193 : i32 to index
        %get3A_195 = tpu.vector_load %arg11[%get3A_194] {strides = array<i32>} : memref<1024xi32, #tpu.memory_space<vmem>>, vector<16xi32>,
        %get3A_196 = vector.shape_cast %get3A_195 : vector<16xi32> to vector<16xi32>
        %sub3A_197 = vector.broadcast %mul3A_91 : i32 to vector<16xi32>
        %sub3A_198 = arith.subi %get3A_196, %sub3A_197 : vector<16xi32>
        %and3A = arith.constant 8191 : i32
        %and3A_199 = vector.broadcast %and3A : i32 to vector<16xi32>
        %and3A_200 = arith.andi %sub3A_191, %and3A_199 : vector<16xi32>
        %add3A_201 = arith.constant 1572864 : i32
        %add3A_202 = vector.broadcast %add3A_201 : i32 to vector<16xi32>
        %add3A_203 = arith.addi %add3A_202, %and3A_200 : vector<16xi32>
        %and3A_204 = arith.constant 8191 : i32
        %and3A_205 = vector.broadcast %and3A_204 : i32 to vector<16xi32>
        %and3A_206 = arith.andi %sub3A_198, %and3A_205 : vector<16xi32>
        %add3A_207 = arith.constant 1572864 : i32
        %add3A_208 = vector.broadcast %add3A_207 : i32 to vector<16xi32>
        %add3A_209 = arith.addi %add3A_208, %and3A_206 : vector<16xi32>
        %bitcast3A = vector.bitcast %sub3A_191 : vector<16xi32> to vector<16xi32>
        %lt3A_210 = vector.broadcast %scan3A_102 : i32 to vector<16xi32>
        %lt3A_211 = arith.cmpi ult, %bitcast3A, %lt3A_210 : vector<16xi32>
        %bitcast3A_212 = vector.bitcast %sub3A_198 : vector<16xi32> to vector<16xi32>
        %lt3A_213 = vector.broadcast %scan3A_102 : i32 to vector<16xi32>
        %lt3A_214 = arith.cmpi ult, %bitcast3A_212, %lt3A_213 : vector<16xi32>
        %select_n3A = arith.select %lt3A_211, %sub3A_191, %add3A_203 : vector<16xi1>, vector<16xi32>
        %mul3A_215 = arith.constant 16 : i32
        %mul3A_216 = arith.muli %scan3A_186, %mul3A_215 : i32
        %swap3A = arith.index_cast %mul3A_216 : i32 to index
        %swap3A_217 = tpu.vector_load %arg15[%swap3A] {strides = array<i32>} : memref<2048xi32, #tpu.memory_space<vmem>>, vector<16xi32>,
        %swap3A_218 = vector.shape_cast %swap3A_217 : vector<16xi32> to vector<16xi32>
        %swap3A_219 = vector.shape_cast %select_n3A : vector<16xi32> to vector<16xi32>
        tpu.vector_store %arg15[%swap3A], %swap3A_219 {strides = array<i32>} : memref<2048xi32, #tpu.memory_space<vmem>>, vector<16xi32>,
        %select_n3A_220 = arith.select %lt3A_214, %sub3A_198, %add3A_209 : vector<16xi1>, vector<16xi32>
        %mul3A_221 = arith.constant 16 : i32
        %mul3A_222 = arith.muli %scan3A_186, %mul3A_221 : i32
        %add3A_223 = arith.constant 1024 : i32
        %add3A_224 = arith.addi %add3A_223, %mul3A_222 : i32
        %swap3A_225 = arith.index_cast %add3A_224 : i32 to index
        %swap3A_226 = tpu.vector_load %arg15[%swap3A_225] {strides = array<i32>} : memref<2048xi32, #tpu.memory_space<vmem>>, vector<16xi32>,
        %swap3A_227 = vector.shape_cast %swap3A_226 : vector<16xi32> to vector<16xi32>
        %swap3A_228 = vector.shape_cast %select_n3A_220 : vector<16xi32> to vector<16xi32>
        tpu.vector_store %arg15[%swap3A_225], %swap3A_228 {strides = array<i32>} : memref<2048xi32, #tpu.memory_space<vmem>>, vector<16xi32>,
        %mul3A_229 = arith.constant 16 : i32
        %mul3A_230 = arith.muli %scan3A_186, %mul3A_229 : i32
        %get3A_231 = arith.index_cast %mul3A_230 : i32 to index
        %get3A_232 = tpu.vector_load %arg13[%get3A_231] {strides = array<i32>} : memref<1024xf32, #tpu.memory_space<vmem>>, vector<16xf32>,
        %get3A_233 = vector.shape_cast %get3A_232 : vector<16xf32> to vector<16xf32>
        %mul3A_234 = arith.constant 16 : i32
        %mul3A_235 = arith.muli %scan3A_186, %mul3A_234 : i32
        %swap3A_236 = arith.index_cast %mul3A_235 : i32 to index
        %swap3A_237 = tpu.vector_load %arg17[%swap3A_236] {strides = array<i32>} : memref<2048xf32, #tpu.memory_space<vmem>>, vector<16xf32>,
        %swap3A_238 = vector.shape_cast %swap3A_237 : vector<16xf32> to vector<16xf32>
        %swap3A_239 = vector.shape_cast %get3A_233 : vector<16xf32> to vector<16xf32>
        tpu.vector_store %arg17[%swap3A_236], %swap3A_239 {strides = array<i32>} : memref<2048xf32, #tpu.memory_space<vmem>>, vector<16xf32>,
        %neg3A = arith.constant 0.000000e+00 : f32
        %neg3A_240 = vector.broadcast %neg3A : f32 to vector<16xf32>
        %neg3A_241 = arith.subf %neg3A_240, %get3A_233 : vector<16xf32>
        %mul3A_242 = arith.constant 16 : i32
        %mul3A_243 = arith.muli %scan3A_186, %mul3A_242 : i32
        %add3A_244 = arith.constant 1024 : i32
        %add3A_245 = arith.addi %add3A_244, %mul3A_243 : i32
        %swap3A_246 = arith.index_cast %add3A_245 : i32 to index
        %swap3A_247 = tpu.vector_load %arg17[%swap3A_246] {strides = array<i32>} : memref<2048xf32, #tpu.memory_space<vmem>>, vector<16xf32>,
        %swap3A_248 = vector.shape_cast %swap3A_247 : vector<16xf32> to vector<16xf32>
        %swap3A_249 = vector.shape_cast %neg3A_241 : vector<16xf32> to vector<16xf32>
        tpu.vector_store %arg17[%swap3A_246], %swap3A_249 {strides = array<i32>} : memref<2048xf32, #tpu.memory_space<vmem>>, vector<16xf32>,
      }
      %scan3A_152 = arith.constant 64 : i32
      %dma_start3A_153 = arith.constant 0 : i32
      %dma_start3A_154 = tpu.memref_slice %arg25[%dma_start3A_153] : memref<1581056xf32, #tpu.memory_space<vmem_shared>> -> memref<1581056xf32, #tpu.memory_space<vmem_shared>>
      tpu.enqueue_indirect_dma source(%arg17 : memref<2048xf32, #tpu.memory_space<vmem>>) target(%dma_start3A_154 : memref<1581056xf32, #tpu.memory_space<vmem_shared>>) offsets(%arg15 : memref<2048xi32, #tpu.memory_space<vmem>>) semaphore(%arg23 : memref<!tpu.dma_semaphore, #tpu.memory_space<semaphore_mem>>) {add = true}
      %add3A_155 = arith.constant 1 : i32
      %add3A_156 = arith.addi %mul3A_121, %add3A_155 : i32
      %mul3A_157 = arith.constant 126976 : i32
      %mul3A_158 = arith.muli %arg1, %mul3A_157 : i32
      %mul3A_159 = arith.constant 1024 : i32
      %mul3A_160 = arith.muli %add3A_156, %mul3A_159 : i32
      %add3A_161 = arith.addi %mul3A_158, %mul3A_160 : i32
      %dma_wait3A_162 = tpu.memref_slice %arg4[%add3A_161] : memref<2031616xi32, #tpu.memory_space<hbm>> -> memref<1024xi32, #tpu.memory_space<hbm>>
      %dma_wait3A_163 = tpu.memref_slice %arg4[%add3A_161] : memref<2031616xi32, #tpu.memory_space<hbm>> -> memref<1024xi32, #tpu.memory_space<hbm>>
      tpu.wait_dma2 semaphore(%arg22 : memref<!tpu.dma_semaphore, #tpu.memory_space<semaphore_mem>>) src(%dma_wait3A_163 : memref<1024xi32, #tpu.memory_space<hbm>>) dst(%arg10 : memref<1024xi32, #tpu.memory_space<vmem>>)
      %dma_wait3A_164 = tpu.memref_slice %arg5[%add3A_161] : memref<2031616xi32, #tpu.memory_space<hbm>> -> memref<1024xi32, #tpu.memory_space<hbm>>
      %dma_wait3A_165 = tpu.memref_slice %arg5[%add3A_161] : memref<2031616xi32, #tpu.memory_space<hbm>> -> memref<1024xi32, #tpu.memory_space<hbm>>
      tpu.wait_dma2 semaphore(%arg22 : memref<!tpu.dma_semaphore, #tpu.memory_space<semaphore_mem>>) src(%dma_wait3A_165 : memref<1024xi32, #tpu.memory_space<hbm>>) dst(%arg12 : memref<1024xi32, #tpu.memory_space<vmem>>)
      %dma_wait3A_166 = tpu.memref_slice %arg6[%add3A_161] : memref<2031616xf32, #tpu.memory_space<hbm>> -> memref<1024xf32, #tpu.memory_space<hbm>>
      %dma_wait3A_167 = tpu.memref_slice %arg6[%add3A_161] : memref<2031616xf32, #tpu.memory_space<hbm>> -> memref<1024xf32, #tpu.memory_space<hbm>>
      tpu.wait_dma2 semaphore(%arg22 : memref<!tpu.dma_semaphore, #tpu.memory_space<semaphore_mem>>) src(%dma_wait3A_167 : memref<1024xf32, #tpu.memory_space<hbm>>) dst(%arg14 : memref<1024xf32, #tpu.memory_space<vmem>>)
      %add3A_168 = arith.constant 1 : i32
      %add3A_169 = arith.addi %scan3A_119, %add3A_168 : i32
      %lt3A = arith.constant 62 : i32
      %lt3A_170 = arith.cmpi slt, %add3A_169, %lt3A : i32
      %convert_element_type3A_171 = arith.extui %lt3A_170 : i1 to i32
      %cond3A_172 = arith.constant 0 : i32
      %cond3A_173 = arith.cmpi ne, %convert_element_type3A_171, %cond3A_172 : i32
      scf.if %cond3A_173 {
        %add3A_186 = arith.constant 2 : i32
        %add3A_187 = arith.addi %mul3A_121, %add3A_186 : i32
        %mul3A_188 = arith.constant 126976 : i32
        %mul3A_189 = arith.muli %arg1, %mul3A_188 : i32
        %mul3A_190 = arith.constant 1024 : i32
        %mul3A_191 = arith.muli %add3A_187, %mul3A_190 : i32
        %add3A_192 = arith.addi %mul3A_189, %mul3A_191 : i32
        %dma_start3A_193 = tpu.memref_slice %arg4[%add3A_192] : memref<2031616xi32, #tpu.memory_space<hbm>> -> memref<1024xi32, #tpu.memory_space<hbm>>
        %dma_start3A_194 = tpu.memref_slice %arg4[%add3A_192] : memref<2031616xi32, #tpu.memory_space<hbm>> -> memref<1024xi32, #tpu.memory_space<hbm>>
        tpu.enqueue_dma source(%dma_start3A_194 : memref<1024xi32, #tpu.memory_space<hbm>>) target(%arg9 : memref<1024xi32, #tpu.memory_space<vmem>>) target_semaphore(%arg21 : memref<!tpu.dma_semaphore, #tpu.memory_space<semaphore_mem>>)
        %dma_start3A_195 = tpu.memref_slice %arg5[%add3A_192] : memref<2031616xi32, #tpu.memory_space<hbm>> -> memref<1024xi32, #tpu.memory_space<hbm>>
        %dma_start3A_196 = tpu.memref_slice %arg5[%add3A_192] : memref<2031616xi32, #tpu.memory_space<hbm>> -> memref<1024xi32, #tpu.memory_space<hbm>>
        tpu.enqueue_dma source(%dma_start3A_196 : memref<1024xi32, #tpu.memory_space<hbm>>) target(%arg11 : memref<1024xi32, #tpu.memory_space<vmem>>) target_semaphore(%arg21 : memref<!tpu.dma_semaphore, #tpu.memory_space<semaphore_mem>>)
        %dma_start3A_197 = tpu.memref_slice %arg6[%add3A_192] : memref<2031616xf32, #tpu.memory_space<hbm>> -> memref<1024xf32, #tpu.memory_space<hbm>>
        %dma_start3A_198 = tpu.memref_slice %arg6[%add3A_192] : memref<2031616xf32, #tpu.memory_space<hbm>> -> memref<1024xf32, #tpu.memory_space<hbm>>
        tpu.enqueue_dma source(%dma_start3A_198 : memref<1024xf32, #tpu.memory_space<hbm>>) target(%arg13 : memref<1024xf32, #tpu.memory_space<vmem>>) target_semaphore(%arg21 : memref<!tpu.dma_semaphore, #tpu.memory_space<semaphore_mem>>)
      } else {
      }
      %gt3A_174 = arith.constant 0 : i32
      %gt3A_175 = arith.cmpi sgt, %scan3A_119, %gt3A_174 : i32
      %convert_element_type3A_176 = arith.extui %gt3A_175 : i1 to i32
      %cond3A_177 = arith.constant 0 : i32
      %cond3A_178 = arith.cmpi ne, %convert_element_type3A_176, %cond3A_177 : i32
      scf.if %cond3A_178 {
        %dma_wait3A_186 = arith.constant 0 : i32
        %dma_wait3A_187 = tpu.memref_slice %arg25[%dma_wait3A_186] : memref<1581056xf32, #tpu.memory_space<vmem_shared>> -> memref<1581056xf32, #tpu.memory_space<vmem_shared>>
        tpu.wait_indirect_dma semaphore(%arg24 : memref<!tpu.dma_semaphore, #tpu.memory_space<semaphore_mem>>) src(%arg18 : memref<2048xf32, #tpu.memory_space<vmem>>) dst(%dma_wait3A_187 : memref<1581056xf32, #tpu.memory_space<vmem_shared>>)
      } else {
      }
      %scan3A_179 = arith.constant 0 : i32
      %scan3A_180 = arith.constant 64 : i32
      %scan3A_181 = arith.addi %scan3A_179, %scan3A_180 : i32
      %scan3A_182 = arith.constant 1 : i32
      scf.for %scan3A_186 = %scan3A_179 to %scan3A_181 step %scan3A_182  : i32 {
        %mul3A_187 = arith.constant 16 : i32
        %mul3A_188 = arith.muli %scan3A_186, %mul3A_187 : i32
        %get3A = arith.index_cast %mul3A_188 : i32 to index
        %get3A_189 = tpu.vector_load %arg10[%get3A] {strides = array<i32>} : memref<1024xi32, #tpu.memory_space<vmem>>, vector<16xi32>,
        %get3A_190 = vector.shape_cast %get3A_189 : vector<16xi32> to vector<16xi32>
        %sub3A = vector.broadcast %mul3A_91 : i32 to vector<16xi32>
        %sub3A_191 = arith.subi %get3A_190, %sub3A : vector<16xi32>
        %mul3A_192 = arith.constant 16 : i32
        %mul3A_193 = arith.muli %scan3A_186, %mul3A_192 : i32
        %get3A_194 = arith.index_cast %mul3A_193 : i32 to index
        %get3A_195 = tpu.vector_load %arg12[%get3A_194] {strides = array<i32>} : memref<1024xi32, #tpu.memory_space<vmem>>, vector<16xi32>,
        %get3A_196 = vector.shape_cast %get3A_195 : vector<16xi32> to vector<16xi32>
        %sub3A_197 = vector.broadcast %mul3A_91 : i32 to vector<16xi32>
        %sub3A_198 = arith.subi %get3A_196, %sub3A_197 : vector<16xi32>
        %and3A = arith.constant 8191 : i32
        %and3A_199 = vector.broadcast %and3A : i32 to vector<16xi32>
        %and3A_200 = arith.andi %sub3A_191, %and3A_199 : vector<16xi32>
        %add3A_201 = arith.constant 1572864 : i32
        %add3A_202 = vector.broadcast %add3A_201 : i32 to vector<16xi32>
        %add3A_203 = arith.addi %add3A_202, %and3A_200 : vector<16xi32>
        %and3A_204 = arith.constant 8191 : i32
        %and3A_205 = vector.broadcast %and3A_204 : i32 to vector<16xi32>
        %and3A_206 = arith.andi %sub3A_198, %and3A_205 : vector<16xi32>
        %add3A_207 = arith.constant 1572864 : i32
        %add3A_208 = vector.broadcast %add3A_207 : i32 to vector<16xi32>
        %add3A_209 = arith.addi %add3A_208, %and3A_206 : vector<16xi32>
        %bitcast3A = vector.bitcast %sub3A_191 : vector<16xi32> to vector<16xi32>
        %lt3A_210 = vector.broadcast %scan3A_102 : i32 to vector<16xi32>
        %lt3A_211 = arith.cmpi ult, %bitcast3A, %lt3A_210 : vector<16xi32>
        %bitcast3A_212 = vector.bitcast %sub3A_198 : vector<16xi32> to vector<16xi32>
        %lt3A_213 = vector.broadcast %scan3A_102 : i32 to vector<16xi32>
        %lt3A_214 = arith.cmpi ult, %bitcast3A_212, %lt3A_213 : vector<16xi32>
        %select_n3A = arith.select %lt3A_211, %sub3A_191, %add3A_203 : vector<16xi1>, vector<16xi32>
        %mul3A_215 = arith.constant 16 : i32
        %mul3A_216 = arith.muli %scan3A_186, %mul3A_215 : i32
        %swap3A = arith.index_cast %mul3A_216 : i32 to index
        %swap3A_217 = tpu.vector_load %arg16[%swap3A] {strides = array<i32>} : memref<2048xi32, #tpu.memory_space<vmem>>, vector<16xi32>,
        %swap3A_218 = vector.shape_cast %swap3A_217 : vector<16xi32> to vector<16xi32>
        %swap3A_219 = vector.shape_cast %select_n3A : vector<16xi32> to vector<16xi32>
        tpu.vector_store %arg16[%swap3A], %swap3A_219 {strides = array<i32>} : memref<2048xi32, #tpu.memory_space<vmem>>, vector<16xi32>,
        %select_n3A_220 = arith.select %lt3A_214, %sub3A_198, %add3A_209 : vector<16xi1>, vector<16xi32>
        %mul3A_221 = arith.constant 16 : i32
        %mul3A_222 = arith.muli %scan3A_186, %mul3A_221 : i32
        %add3A_223 = arith.constant 1024 : i32
        %add3A_224 = arith.addi %add3A_223, %mul3A_222 : i32
        %swap3A_225 = arith.index_cast %add3A_224 : i32 to index
        %swap3A_226 = tpu.vector_load %arg16[%swap3A_225] {strides = array<i32>} : memref<2048xi32, #tpu.memory_space<vmem>>, vector<16xi32>,
        %swap3A_227 = vector.shape_cast %swap3A_226 : vector<16xi32> to vector<16xi32>
        %swap3A_228 = vector.shape_cast %select_n3A_220 : vector<16xi32> to vector<16xi32>
        tpu.vector_store %arg16[%swap3A_225], %swap3A_228 {strides = array<i32>} : memref<2048xi32, #tpu.memory_space<vmem>>, vector<16xi32>,
        %mul3A_229 = arith.constant 16 : i32
        %mul3A_230 = arith.muli %scan3A_186, %mul3A_229 : i32
        %get3A_231 = arith.index_cast %mul3A_230 : i32 to index
        %get3A_232 = tpu.vector_load %arg14[%get3A_231] {strides = array<i32>} : memref<1024xf32, #tpu.memory_space<vmem>>, vector<16xf32>,
        %get3A_233 = vector.shape_cast %get3A_232 : vector<16xf32> to vector<16xf32>
        %mul3A_234 = arith.constant 16 : i32
        %mul3A_235 = arith.muli %scan3A_186, %mul3A_234 : i32
        %swap3A_236 = arith.index_cast %mul3A_235 : i32 to index
        %swap3A_237 = tpu.vector_load %arg18[%swap3A_236] {strides = array<i32>} : memref<2048xf32, #tpu.memory_space<vmem>>, vector<16xf32>,
        %swap3A_238 = vector.shape_cast %swap3A_237 : vector<16xf32> to vector<16xf32>
        %swap3A_239 = vector.shape_cast %get3A_233 : vector<16xf32> to vector<16xf32>
        tpu.vector_store %arg18[%swap3A_236], %swap3A_239 {strides = array<i32>} : memref<2048xf32, #tpu.memory_space<vmem>>, vector<16xf32>,
        %neg3A = arith.constant 0.000000e+00 : f32
        %neg3A_240 = vector.broadcast %neg3A : f32 to vector<16xf32>
        %neg3A_241 = arith.subf %neg3A_240, %get3A_233 : vector<16xf32>
        %mul3A_242 = arith.constant 16 : i32
        %mul3A_243 = arith.muli %scan3A_186, %mul3A_242 : i32
        %add3A_244 = arith.constant 1024 : i32
        %add3A_245 = arith.addi %add3A_244, %mul3A_243 : i32
        %swap3A_246 = arith.index_cast %add3A_245 : i32 to index
        %swap3A_247 = tpu.vector_load %arg18[%swap3A_246] {strides = array<i32>} : memref<2048xf32, #tpu.memory_space<vmem>>, vector<16xf32>,
        %swap3A_248 = vector.shape_cast %swap3A_247 : vector<16xf32> to vector<16xf32>
        %swap3A_249 = vector.shape_cast %neg3A_241 : vector<16xf32> to vector<16xf32>
        tpu.vector_store %arg18[%swap3A_246], %swap3A_249 {strides = array<i32>} : memref<2048xf32, #tpu.memory_space<vmem>>, vector<16xf32>,
      }
      %scan3A_183 = arith.constant 64 : i32
      %dma_start3A_184 = arith.constant 0 : i32
      %dma_start3A_185 = tpu.memref_slice %arg25[%dma_start3A_184] : memref<1581056xf32, #tpu.memory_space<vmem_shared>> -> memref<1581056xf32, #tpu.memory_space<vmem_shared>>
      tpu.enqueue_indirect_dma source(%arg18 : memref<2048xf32, #tpu.memory_space<vmem>>) target(%dma_start3A_185 : memref<1581056xf32, #tpu.memory_space<vmem_shared>>) offsets(%arg16 : memref<2048xi32, #tpu.memory_space<vmem>>) semaphore(%arg24 : memref<!tpu.dma_semaphore, #tpu.memory_space<semaphore_mem>>) {add = true}
    }
    %scan3A_107 = arith.constant 62 : i32
    %dma_wait3A_108 = arith.constant 0 : i32
    %dma_wait3A_109 = tpu.memref_slice %arg25[%dma_wait3A_108] : memref<1581056xf32, #tpu.memory_space<vmem_shared>> -> memref<1581056xf32, #tpu.memory_space<vmem_shared>>
    tpu.wait_indirect_dma semaphore(%arg23 : memref<!tpu.dma_semaphore, #tpu.memory_space<semaphore_mem>>) src(%arg17 : memref<2048xf32, #tpu.memory_space<vmem>>) dst(%dma_wait3A_109 : memref<1581056xf32, #tpu.memory_space<vmem_shared>>)
    %dma_wait3A_110 = arith.constant 0 : i32
    %dma_wait3A_111 = tpu.memref_slice %arg25[%dma_wait3A_110] : memref<1581056xf32, #tpu.memory_space<vmem_shared>> -> memref<1581056xf32, #tpu.memory_space<vmem_shared>>
    tpu.wait_indirect_dma semaphore(%arg24 : memref<!tpu.dma_semaphore, #tpu.memory_space<semaphore_mem>>) src(%arg18 : memref<2048xf32, #tpu.memory_space<vmem>>) dst(%dma_wait3A_111 : memref<1581056xf32, #tpu.memory_space<vmem_shared>>)
    %barrier3A_112 = arith.constant 0 : index
    tpu.barrier barrier_id(%barrier3A_112)
    %mul3A_113 = arith.constant 65536 : i32
    %mul3A_114 = arith.muli %arg1, %mul3A_113 : i32
    %mul3A_115 = arith.constant 65536 : i32
    %mul3A_116 = arith.muli %arg1, %mul3A_115 : i32
    %add3A_117 = arith.addi %mul3A_83, %mul3A_116 : i32
    "tpu.region"() ({
      %run_scoped3A = tpu.sem_alloc : memref<!tpu.dma_semaphore, #tpu.memory_space<semaphore_mem>>
      %dma_start3A_119 = tpu.memref_slice %arg8[%add3A_117] : memref<2097152xf32, #tpu.memory_space<hbm>> -> memref<65536xf32, #tpu.memory_space<hbm>>
      %dma_start3A_120 = tpu.memref_slice %arg25[%mul3A_114] : memref<1581056xf32, #tpu.memory_space<vmem_shared>> -> memref<65536xf32, #tpu.memory_space<vmem_shared>>
      tpu.enqueue_dma source(%dma_start3A_120 : memref<65536xf32, #tpu.memory_space<vmem_shared>>) target(%dma_start3A_119 : memref<65536xf32, #tpu.memory_space<hbm>>) target_semaphore(%run_scoped3A : memref<!tpu.dma_semaphore, #tpu.memory_space<semaphore_mem>>)
      %dma_wait3A_121 = tpu.memref_slice %arg8[%add3A_117] : memref<2097152xf32, #tpu.memory_space<hbm>> -> memref<65536xf32, #tpu.memory_space<hbm>>
      %dma_wait3A_122 = tpu.memref_slice %arg25[%mul3A_114] : memref<1581056xf32, #tpu.memory_space<vmem_shared>> -> memref<65536xf32, #tpu.memory_space<vmem_shared>>
      tpu.wait_dma2 semaphore(%run_scoped3A : memref<!tpu.dma_semaphore, #tpu.memory_space<semaphore_mem>>) src(%dma_wait3A_122 : memref<65536xf32, #tpu.memory_space<vmem_shared>>) dst(%dma_wait3A_121 : memref<65536xf32, #tpu.memory_space<hbm>>)
      tpu.yield
    }) : () -> ()
    %barrier3A_118 = arith.constant 0 : index
    tpu.barrier barrier_id(%barrier3A_118)
    return
  }
}

module attributes {stable_mosaic.version = 14 : i64} {
  func.func @_cumsum_body(%arg0: i32, %arg1: i32, %arg2: memref<1x512x1536xf32, #tpu.memory_space<vmem>>, %arg3: memref<1x512x1536xf32, #tpu.memory_space<vmem>>, %arg4: memref<1x1536xf32, #tpu.memory_space<vmem>>) attributes {dimension_semantics = [#tpu.dimension_semantics<arbitrary>, #tpu.dimension_semantics<arbitrary>], iteration_bounds = array<i64: 1, 8>, scalar_prefetch = 0 : i64, scratch_operands = 1 : i64, tpu.core_type = #tpu.core_type<tc>, window_params = [{transform_indices = @transform_0, window_bounds = array<i64: 1, 512, 1536>}, {transform_indices = @transform_1, window_bounds = array<i64: 1, 512, 1536>}]} {
    %eq3A = arith.constant 0 : i32
    %eq3A_0 = arith.cmpi eq, %arg1, %eq3A : i32
    %convert_element_type3A = arith.extui %eq3A_0 : i1 to i32
    %cond3A = arith.constant 0 : i32
    %cond3A_1 = arith.cmpi ne, %convert_element_type3A, %cond3A : i32
    scf.if %cond3A_1 {
      %broadcast_in_dim3A = arith.constant 0.000000e+00 : f32
      %broadcast_in_dim3A_26 = vector.broadcast %broadcast_in_dim3A : f32 to vector<1x1536xf32>
      %swap3A_27 = arith.constant 0 : index
      %swap3A_28 = arith.constant 0 : index
      %swap3A_29 = vector.load %arg4[%swap3A_27, %swap3A_28] : memref<1x1536xf32, #tpu.memory_space<vmem>>, vector<1x1536xf32>
      tpu.vector_store %arg4[%swap3A_27, %swap3A_28], %broadcast_in_dim3A_26 {strides = array<i32>} : memref<1x1536xf32, #tpu.memory_space<vmem>>, vector<1x1536xf32>,
    } else {
    }
    %get3A = arith.constant 0 : index
    %get3A_2 = arith.constant 0 : index
    %get3A_3 = arith.constant 0 : index
    %get3A_4 = vector.load %arg2[%get3A, %get3A_2, %get3A_3] : memref<1x512x1536xf32, #tpu.memory_space<vmem>>, vector<1x512x1536xf32>
    %get3A_5 = vector.shape_cast %get3A_4 : vector<1x512x1536xf32> to vector<512x1536xf32>
    %iota3A = tpu.iota {dimensions = array<i32: 0>} : vector<512x512xi32>
    %iota3A_6 = tpu.iota {dimensions = array<i32: 1>} : vector<512x512xi32>
    %ge3A = arith.cmpi sge, %iota3A, %iota3A_6 : vector<512x512xi32>
    %convert_element_type3A_7 = arith.extui %ge3A : vector<512x512xi1> to vector<512x512xi32>
    %convert_element_type3A_8 = arith.sitofp %convert_element_type3A_7 : vector<512x512xi32> to vector<512x512xf32>
    %dot_general3A = arith.constant dense<0.000000e+00> : vector<512x1536xf32>
    %dot_general3A_9 = tpu.matmul %convert_element_type3A_8, %get3A_5, %dot_general3A {dimension_numbers = #tpu.dot_dimension_numbers<[1], [0], [0], [1], [0, 0, 1, 1], [], []>, transpose_lhs_hint = false} : vector<512x512xf32>, vector<512x1536xf32>, vector<512x1536xf32> -> vector<512x1536xf32>
    %get3A_10 = arith.constant 0 : index
    %get3A_11 = arith.constant 0 : index
    %get3A_12 = vector.load %arg4[%get3A_10, %get3A_11] : memref<1x1536xf32, #tpu.memory_space<vmem>>, vector<1x1536xf32>
    %add3A = vector.broadcast %get3A_12 : vector<1x1536xf32> to vector<512x1536xf32>
    %add3A_13 = arith.addf %dot_general3A_9, %add3A : vector<512x1536xf32>
    %swap3A = arith.constant 0 : index
    %swap3A_14 = arith.constant 0 : index
    %swap3A_15 = arith.constant 0 : index
    %swap3A_16 = vector.load %arg3[%swap3A, %swap3A_14, %swap3A_15] : memref<1x512x1536xf32, #tpu.memory_space<vmem>>, vector<1x512x1536xf32>
    %swap3A_17 = vector.shape_cast %swap3A_16 : vector<1x512x1536xf32> to vector<512x1536xf32>
    %swap3A_18 = vector.shape_cast %add3A_13 : vector<512x1536xf32> to vector<1x512x1536xf32>
    tpu.vector_store %arg3[%swap3A, %swap3A_14, %swap3A_15], %swap3A_18 {strides = array<i32>} : memref<1x512x1536xf32, #tpu.memory_space<vmem>>, vector<1x512x1536xf32>,
    %get3A_19 = arith.constant 0 : index
    %get3A_20 = arith.constant 0 : index
    %get3A_21 = vector.load %arg4[%get3A_19, %get3A_20] : memref<1x1536xf32, #tpu.memory_space<vmem>>, vector<1x1536xf32>
    %slice3A = vector.extract_strided_slice %dot_general3A_9 {offsets = [511, 0], sizes = [1, 1536], strides = [1, 1]} : vector<512x1536xf32> to vector<1x1536xf32>
    %add3A_22 = arith.addf %get3A_21, %slice3A : vector<1x1536xf32>
    %swap3A_23 = arith.constant 0 : index
    %swap3A_24 = arith.constant 0 : index
    %swap3A_25 = vector.load %arg4[%swap3A_23, %swap3A_24] : memref<1x1536xf32, #tpu.memory_space<vmem>>, vector<1x1536xf32>
    tpu.vector_store %arg4[%swap3A_23, %swap3A_24], %add3A_22 {strides = array<i32>} : memref<1x1536xf32, #tpu.memory_space<vmem>>, vector<1x1536xf32>,
    return
  }
  func.func @transform_0(%arg0: i32, %arg1: i32) -> (i32, i32, i32) {
    %c0_i32 = arith.constant 0 : i32
    %c0_i32_0 = arith.constant 0 : i32
    return %arg0, %arg1, %c0_i32 : i32, i32, i32
  }
  func.func @transform_1(%arg0: i32, %arg1: i32) -> (i32, i32, i32) {
    %c0_i32 = arith.constant 0 : i32
    %c0_i32_0 = arith.constant 0 : i32
    return %arg0, %arg1, %c0_i32 : i32, i32, i32
  }
}

module attributes {stable_mosaic.version = 14 : i64} {
  func.func @_precompute_body(%arg0: i32, %arg1: memref<496x128xf32, #tpu.memory_space<vmem>>, %arg2: memref<496x128xf32, #tpu.memory_space<vmem>>, %arg3: memref<496x128xf32, #tpu.memory_space<vmem>>, %arg4: memref<496x128xi32, #tpu.memory_space<vmem>>, %arg5: memref<496x128xi32, #tpu.memory_space<vmem>>, %arg6: memref<496x128xi32, #tpu.memory_space<vmem>>, %arg7: memref<496x128xi32, #tpu.memory_space<vmem>>, %arg8: memref<496x128xi32, #tpu.memory_space<vmem>>, %arg9: memref<496x128xi32, #tpu.memory_space<vmem>>, %arg10: memref<496x128xi32, #tpu.memory_space<vmem>>, %arg11: memref<496x128xi32, #tpu.memory_space<vmem>>, %arg12: memref<496x128xf32, #tpu.memory_space<vmem>>) attributes {dimension_semantics = [#tpu.dimension_semantics<arbitrary>], iteration_bounds = array<i64: 32>, scalar_prefetch = 0 : i64, scratch_operands = 0 : i64, tpu.core_type = #tpu.core_type<tc>, window_params = [{transform_indices = @transform_0, window_bounds = array<i64: 496, 128>}, {transform_indices = @transform_1, window_bounds = array<i64: 496, 128>}, {transform_indices = @transform_2, window_bounds = array<i64: 496, 128>}, {transform_indices = @transform_3, window_bounds = array<i64: 496, 128>}, {transform_indices = @transform_4, window_bounds = array<i64: 496, 128>}, {transform_indices = @transform_5, window_bounds = array<i64: 496, 128>}, {transform_indices = @transform_6, window_bounds = array<i64: 496, 128>}, {transform_indices = @transform_7, window_bounds = array<i64: 496, 128>}, {transform_indices = @transform_8, window_bounds = array<i64: 496, 128>}, {transform_indices = @transform_9, window_bounds = array<i64: 496, 128>}, {transform_indices = @transform_10, window_bounds = array<i64: 496, 128>}, {transform_indices = @transform_11, window_bounds = array<i64: 496, 128>}]} {
    %get3A = arith.constant 0 : index
    %get3A_0 = arith.constant 0 : index
    %get3A_1 = vector.load %arg1[%get3A, %get3A_0] : memref<496x128xf32, #tpu.memory_space<vmem>>, vector<496x128xf32>
    %get3A_2 = arith.constant 0 : index
    %get3A_3 = arith.constant 0 : index
    %get3A_4 = vector.load %arg2[%get3A_2, %get3A_3] : memref<496x128xf32, #tpu.memory_space<vmem>>, vector<496x128xf32>
    %get3A_5 = arith.constant 0 : index
    %get3A_6 = arith.constant 0 : index
    %get3A_7 = vector.load %arg3[%get3A_5, %get3A_6] : memref<496x128xf32, #tpu.memory_space<vmem>>, vector<496x128xf32>
    %mul3A = arith.constant 496 : i32
    %mul3A_8 = arith.muli %arg0, %mul3A : i32
    %mul3A_9 = arith.constant 128 : i32
    %mul3A_10 = arith.muli %mul3A_8, %mul3A_9 : i32
    %iota3A = tpu.iota {dimensions = array<i32: 0>} : vector<496x128xi32>
    %mul3A_11 = arith.constant 128 : i32
    %mul3A_12 = vector.broadcast %mul3A_11 : i32 to vector<496x128xi32>
    %mul3A_13 = arith.muli %iota3A, %mul3A_12 : vector<496x128xi32>
    %add3A = vector.broadcast %mul3A_10 : i32 to vector<496x128xi32>
    %add3A_14 = arith.addi %add3A, %mul3A_13 : vector<496x128xi32>
    %iota3A_15 = tpu.iota {dimensions = array<i32: 1>} : vector<496x128xi32>
    %add3A_16 = arith.addi %add3A_14, %iota3A_15 : vector<496x128xi32>
    %lt3A = arith.constant 2000000 : i32
    %lt3A_17 = vector.broadcast %lt3A : i32 to vector<496x128xi32>
    %lt3A_18 = arith.cmpi slt, %add3A_16, %lt3A_17 : vector<496x128xi32>
    %gt3A = arith.constant 3.000000e+01 : f32
    %gt3A_19 = vector.broadcast %gt3A : f32 to vector<496x128xf32>
    %gt3A_20 = arith.cmpf ogt, %get3A_1, %gt3A_19 : vector<496x128xf32>
    %lt3A_21 = arith.constant 1.000000e+01 : f32
    %lt3A_22 = vector.broadcast %lt3A_21 : f32 to vector<496x128xf32>
    %lt3A_23 = arith.cmpf olt, %get3A_1, %lt3A_22 : vector<496x128xf32>
    %jit3A = arith.constant 5.000000e-01 : f32
    %jit3A_24 = arith.constant 7.500000e-01 : f32
    %broadcast_in_dim3A = vector.broadcast %jit3A : f32 to vector<496x128xf32>
    %broadcast_in_dim3A_25 = vector.broadcast %jit3A_24 : f32 to vector<496x128xf32>
    %select_n3A = arith.select %lt3A_23, %broadcast_in_dim3A, %broadcast_in_dim3A_25 : vector<496x128xi1>, vector<496x128xf32>
    %jit3A_26 = arith.constant 1.000000e+00 : f32
    %broadcast_in_dim3A_27 = vector.broadcast %jit3A_26 : f32 to vector<496x128xf32>
    %select_n3A_28 = arith.select %gt3A_20, %broadcast_in_dim3A_27, %select_n3A : vector<496x128xi1>, vector<496x128xf32>
    %gt3A_29 = arith.constant 0.00999999977 : f32
    %gt3A_30 = vector.broadcast %gt3A_29 : f32 to vector<496x128xf32>
    %gt3A_31 = arith.cmpf ogt, %get3A_4, %gt3A_30 : vector<496x128xf32>
    %lt3A_32 = arith.constant 5.000000e-03 : f32
    %lt3A_33 = vector.broadcast %lt3A_32 : f32 to vector<496x128xf32>
    %lt3A_34 = arith.cmpf olt, %get3A_4, %lt3A_33 : vector<496x128xf32>
    %jit3A_35 = arith.constant 0.000000e+00 : f32
    %jit3A_36 = arith.constant 7.500000e-01 : f32
    %broadcast_in_dim3A_37 = vector.broadcast %jit3A_35 : f32 to vector<496x128xf32>
    %broadcast_in_dim3A_38 = vector.broadcast %jit3A_36 : f32 to vector<496x128xf32>
    %select_n3A_39 = arith.select %lt3A_34, %broadcast_in_dim3A_37, %broadcast_in_dim3A_38 : vector<496x128xi1>, vector<496x128xf32>
    %jit3A_40 = arith.constant 1.000000e+00 : f32
    %broadcast_in_dim3A_41 = vector.broadcast %jit3A_40 : f32 to vector<496x128xf32>
    %select_n3A_42 = arith.select %gt3A_31, %broadcast_in_dim3A_41, %select_n3A_39 : vector<496x128xi1>, vector<496x128xf32>
    %mul3A_43 = arith.mulf %select_n3A_28, %select_n3A_42 : vector<496x128xf32>
    %lt3A_44 = arith.constant 5.000000e-03 : f32
    %lt3A_45 = vector.broadcast %lt3A_44 : f32 to vector<496x128xf32>
    %lt3A_46 = arith.cmpf olt, %get3A_4, %lt3A_45 : vector<496x128xf32>
    %gt3A_47 = arith.constant 3.000000e+01 : f32
    %gt3A_48 = vector.broadcast %gt3A_47 : f32 to vector<496x128xf32>
    %gt3A_49 = arith.cmpf ogt, %get3A_1, %gt3A_48 : vector<496x128xf32>
    %lt3A_50 = arith.constant 0.00999999977 : f32
    %lt3A_51 = vector.broadcast %lt3A_50 : f32 to vector<496x128xf32>
    %lt3A_52 = arith.cmpf olt, %get3A_4, %lt3A_51 : vector<496x128xf32>
    %and3A = arith.andi %gt3A_49, %lt3A_52 : vector<496x128xi1>
    %or3A = arith.ori %lt3A_46, %and3A : vector<496x128xi1>
    %not3A = arith.constant dense<true> : vector<496x128xi1>
    %not3A_53 = arith.xori %or3A, %not3A : vector<496x128xi1>
    %gt3A_54 = arith.constant 0.000000e+00 : f32
    %gt3A_55 = vector.broadcast %gt3A_54 : f32 to vector<496x128xf32>
    %gt3A_56 = arith.cmpf ogt, %get3A_7, %gt3A_55 : vector<496x128xf32>
    %and3A_57 = arith.andi %not3A_53, %gt3A_56 : vector<496x128xi1>
    %lt3A_58 = arith.constant 0.000000e+00 : f32
    %lt3A_59 = vector.broadcast %lt3A_58 : f32 to vector<496x128xf32>
    %lt3A_60 = arith.cmpf olt, %get3A_7, %lt3A_59 : vector<496x128xf32>
    %and3A_61 = arith.andi %not3A_53, %lt3A_60 : vector<496x128xi1>
    %jit3A_62 = arith.constant 2 : i32
    %jit3A_63 = arith.constant 3 : i32
    %broadcast_in_dim3A_64 = vector.broadcast %jit3A_62 : i32 to vector<496x128xi32>
    %broadcast_in_dim3A_65 = vector.broadcast %jit3A_63 : i32 to vector<496x128xi32>
    %select_n3A_66 = arith.select %and3A_61, %broadcast_in_dim3A_64, %broadcast_in_dim3A_65 : vector<496x128xi1>, vector<496x128xi32>
    %jit3A_67 = arith.constant 1 : i32
    %broadcast_in_dim3A_68 = vector.broadcast %jit3A_67 : i32 to vector<496x128xi32>
    %select_n3A_69 = arith.select %or3A, %broadcast_in_dim3A_68, %select_n3A_66 : vector<496x128xi1>, vector<496x128xi32>
    %jit3A_70 = arith.constant 0 : i32
    %broadcast_in_dim3A_71 = vector.broadcast %jit3A_70 : i32 to vector<496x128xi32>
    %select_n3A_72 = arith.select %and3A_57, %broadcast_in_dim3A_71, %select_n3A_69 : vector<496x128xi1>, vector<496x128xi32>
    %ne3A = arith.constant 3 : i32
    %ne3A_73 = vector.broadcast %ne3A : i32 to vector<496x128xi32>
    %ne3A_74 = arith.cmpi ne, %select_n3A_72, %ne3A_73 : vector<496x128xi32>
    %and3A_75 = arith.andi %lt3A_18, %ne3A_74 : vector<496x128xi1>
    %jit3A_76 = arith.constant 0.000000e+00 : f32
    %broadcast_in_dim3A_77 = vector.broadcast %jit3A_76 : f32 to vector<496x128xf32>
    %select_n3A_78 = arith.select %and3A_75, %mul3A_43, %broadcast_in_dim3A_77 : vector<496x128xi1>, vector<496x128xf32>
    %swap3A = arith.constant 0 : index
    %swap3A_79 = arith.constant 0 : index
    %swap3A_80 = vector.load %arg12[%swap3A, %swap3A_79] : memref<496x128xf32, #tpu.memory_space<vmem>>, vector<496x128xf32>
    tpu.vector_store %arg12[%swap3A, %swap3A_79], %select_n3A_78 {strides = array<i32>} : memref<496x128xf32, #tpu.memory_space<vmem>>, vector<496x128xf32>,
    %get3A_81 = arith.constant 0 : index
    %get3A_82 = arith.constant 0 : index
    %get3A_83 = vector.load %arg6[%get3A_81, %get3A_82] : memref<496x128xi32, #tpu.memory_space<vmem>>, vector<496x128xi32>
    %mul3A_84 = arith.constant 64 : i32
    %mul3A_85 = vector.broadcast %mul3A_84 : i32 to vector<496x128xi32>
    %mul3A_86 = arith.muli %get3A_83, %mul3A_85 : vector<496x128xi32>
    %get3A_87 = arith.constant 0 : index
    %get3A_88 = arith.constant 0 : index
    %get3A_89 = vector.load %arg7[%get3A_87, %get3A_88] : memref<496x128xi32, #tpu.memory_space<vmem>>, vector<496x128xi32>
    %add3A_90 = arith.addi %mul3A_86, %get3A_89 : vector<496x128xi32>
    %get3A_91 = arith.constant 0 : index
    %get3A_92 = arith.constant 0 : index
    %get3A_93 = vector.load %arg4[%get3A_91, %get3A_92] : memref<496x128xi32, #tpu.memory_space<vmem>>, vector<496x128xi32>
    %mul3A_94 = arith.constant 512 : i32
    %mul3A_95 = vector.broadcast %mul3A_94 : i32 to vector<496x128xi32>
    %mul3A_96 = arith.muli %get3A_93, %mul3A_95 : vector<496x128xi32>
    %add3A_97 = arith.addi %mul3A_96, %add3A_90 : vector<496x128xi32>
    %get3A_98 = arith.constant 0 : index
    %get3A_99 = arith.constant 0 : index
    %get3A_100 = vector.load %arg5[%get3A_98, %get3A_99] : memref<496x128xi32, #tpu.memory_space<vmem>>, vector<496x128xi32>
    %mul3A_101 = arith.constant 512 : i32
    %mul3A_102 = vector.broadcast %mul3A_101 : i32 to vector<496x128xi32>
    %mul3A_103 = arith.muli %get3A_100, %mul3A_102 : vector<496x128xi32>
    %add3A_104 = arith.addi %mul3A_103, %add3A_90 : vector<496x128xi32>
    %lt3A_105 = arith.constant 3 : i32
    %lt3A_106 = vector.broadcast %lt3A_105 : i32 to vector<496x128xi32>
    %lt3A_107 = arith.cmpi slt, %select_n3A_72, %lt3A_106 : vector<496x128xi32>
    %and3A_108 = arith.andi %lt3A_18, %lt3A_107 : vector<496x128xi1>
    %and3A_109 = arith.constant 8191 : i32
    %and3A_110 = vector.broadcast %and3A_109 : i32 to vector<496x128xi32>
    %and3A_111 = arith.andi %add3A_16, %and3A_110 : vector<496x128xi32>
    %add3A_112 = arith.constant 268435456 : i32
    %add3A_113 = vector.broadcast %add3A_112 : i32 to vector<496x128xi32>
    %add3A_114 = arith.addi %add3A_113, %and3A_111 : vector<496x128xi32>
    %mul3A_115 = arith.constant 3 : i32
    %mul3A_116 = vector.broadcast %mul3A_115 : i32 to vector<496x128xi32>
    %mul3A_117 = arith.muli %add3A_97, %mul3A_116 : vector<496x128xi32>
    %add3A_118 = arith.addi %mul3A_117, %select_n3A_72 : vector<496x128xi32>
    %select_n3A_119 = arith.select %and3A_108, %add3A_118, %add3A_114 : vector<496x128xi1>, vector<496x128xi32>
    %swap3A_120 = arith.constant 0 : index
    %swap3A_121 = arith.constant 0 : index
    %swap3A_122 = vector.load %arg8[%swap3A_120, %swap3A_121] : memref<496x128xi32, #tpu.memory_space<vmem>>, vector<496x128xi32>
    tpu.vector_store %arg8[%swap3A_120, %swap3A_121], %select_n3A_119 {strides = array<i32>} : memref<496x128xi32, #tpu.memory_space<vmem>>, vector<496x128xi32>,
    %mul3A_123 = arith.constant 3 : i32
    %mul3A_124 = vector.broadcast %mul3A_123 : i32 to vector<496x128xi32>
    %mul3A_125 = arith.muli %add3A_104, %mul3A_124 : vector<496x128xi32>
    %add3A_126 = arith.addi %mul3A_125, %select_n3A_72 : vector<496x128xi32>
    %select_n3A_127 = arith.select %and3A_108, %add3A_126, %add3A_114 : vector<496x128xi1>, vector<496x128xi32>
    %swap3A_128 = arith.constant 0 : index
    %swap3A_129 = arith.constant 0 : index
    %swap3A_130 = vector.load %arg9[%swap3A_128, %swap3A_129] : memref<496x128xi32, #tpu.memory_space<vmem>>, vector<496x128xi32>
    tpu.vector_store %arg9[%swap3A_128, %swap3A_129], %select_n3A_127 {strides = array<i32>} : memref<496x128xi32, #tpu.memory_space<vmem>>, vector<496x128xi32>,
    %ne3A_131 = arith.constant 0.000000e+00 : f32
    %ne3A_132 = vector.broadcast %ne3A_131 : f32 to vector<496x128xf32>
    %ne3A_133 = arith.cmpf one, %select_n3A_78, %ne3A_132 : vector<496x128xf32>
    %select_n3A_134 = arith.select %ne3A_133, %add3A_97, %add3A_114 : vector<496x128xi1>, vector<496x128xi32>
    %swap3A_135 = arith.constant 0 : index
    %swap3A_136 = arith.constant 0 : index
    %swap3A_137 = vector.load %arg10[%swap3A_135, %swap3A_136] : memref<496x128xi32, #tpu.memory_space<vmem>>, vector<496x128xi32>
    tpu.vector_store %arg10[%swap3A_135, %swap3A_136], %select_n3A_134 {strides = array<i32>} : memref<496x128xi32, #tpu.memory_space<vmem>>, vector<496x128xi32>,
    %select_n3A_138 = arith.select %ne3A_133, %add3A_104, %add3A_114 : vector<496x128xi1>, vector<496x128xi32>
    %swap3A_139 = arith.constant 0 : index
    %swap3A_140 = arith.constant 0 : index
    %swap3A_141 = vector.load %arg11[%swap3A_139, %swap3A_140] : memref<496x128xi32, #tpu.memory_space<vmem>>, vector<496x128xi32>
    tpu.vector_store %arg11[%swap3A_139, %swap3A_140], %select_n3A_138 {strides = array<i32>} : memref<496x128xi32, #tpu.memory_space<vmem>>, vector<496x128xi32>,
    return
  }
  func.func @transform_0(%arg0: i32) -> (i32, i32) {
    %c0_i32 = arith.constant 0 : i32
    %c0_i32_0 = arith.constant 0 : i32
    return %arg0, %c0_i32 : i32, i32
  }
  func.func @transform_1(%arg0: i32) -> (i32, i32) {
    %c0_i32 = arith.constant 0 : i32
    %c0_i32_0 = arith.constant 0 : i32
    return %arg0, %c0_i32 : i32, i32
  }
  func.func @transform_2(%arg0: i32) -> (i32, i32) {
    %c0_i32 = arith.constant 0 : i32
    %c0_i32_0 = arith.constant 0 : i32
    return %arg0, %c0_i32 : i32, i32
  }
  func.func @transform_3(%arg0: i32) -> (i32, i32) {
    %c0_i32 = arith.constant 0 : i32
    %c0_i32_0 = arith.constant 0 : i32
    return %arg0, %c0_i32 : i32, i32
  }
  func.func @transform_4(%arg0: i32) -> (i32, i32) {
    %c0_i32 = arith.constant 0 : i32
    %c0_i32_0 = arith.constant 0 : i32
    return %arg0, %c0_i32 : i32, i32
  }
  func.func @transform_5(%arg0: i32) -> (i32, i32) {
    %c0_i32 = arith.constant 0 : i32
    %c0_i32_0 = arith.constant 0 : i32
    return %arg0, %c0_i32 : i32, i32
  }
  func.func @transform_6(%arg0: i32) -> (i32, i32) {
    %c0_i32 = arith.constant 0 : i32
    %c0_i32_0 = arith.constant 0 : i32
    return %arg0, %c0_i32 : i32, i32
  }
  func.func @transform_7(%arg0: i32) -> (i32, i32) {
    %c0_i32 = arith.constant 0 : i32
    %c0_i32_0 = arith.constant 0 : i32
    return %arg0, %c0_i32 : i32, i32
  }
  func.func @transform_8(%arg0: i32) -> (i32, i32) {
    %c0_i32 = arith.constant 0 : i32
    %c0_i32_0 = arith.constant 0 : i32
    return %arg0, %c0_i32 : i32, i32
  }
  func.func @transform_9(%arg0: i32) -> (i32, i32) {
    %c0_i32 = arith.constant 0 : i32
    %c0_i32_0 = arith.constant 0 : i32
    return %arg0, %c0_i32 : i32, i32
  }
  func.func @transform_10(%arg0: i32) -> (i32, i32) {
    %c0_i32 = arith.constant 0 : i32
    %c0_i32_0 = arith.constant 0 : i32
    return %arg0, %c0_i32 : i32, i32
  }
  func.func @transform_11(%arg0: i32) -> (i32, i32) {
    %c0_i32 = arith.constant 0 : i32
    %c0_i32_0 = arith.constant 0 : i32
    return %arg0, %c0_i32 : i32, i32
  }
}

module attributes {stable_mosaic.version = 14 : i64} {
  func.func @_cumsum_body(%arg0: i32, %arg1: i32, %arg2: memref<1x512x512xf32, #tpu.memory_space<vmem>>, %arg3: memref<1x512x512xf32, #tpu.memory_space<vmem>>, %arg4: memref<1x512xf32, #tpu.memory_space<vmem>>) attributes {dimension_semantics = [#tpu.dimension_semantics<arbitrary>, #tpu.dimension_semantics<arbitrary>], iteration_bounds = array<i64: 1, 8>, scalar_prefetch = 0 : i64, scratch_operands = 1 : i64, tpu.core_type = #tpu.core_type<tc>, window_params = [{transform_indices = @transform_0, window_bounds = array<i64: 1, 512, 512>}, {transform_indices = @transform_1, window_bounds = array<i64: 1, 512, 512>}]} {
    %eq3A = arith.constant 0 : i32
    %eq3A_0 = arith.cmpi eq, %arg1, %eq3A : i32
    %convert_element_type3A = arith.extui %eq3A_0 : i1 to i32
    %cond3A = arith.constant 0 : i32
    %cond3A_1 = arith.cmpi ne, %convert_element_type3A, %cond3A : i32
    scf.if %cond3A_1 {
      %broadcast_in_dim3A = arith.constant 0.000000e+00 : f32
      %broadcast_in_dim3A_26 = vector.broadcast %broadcast_in_dim3A : f32 to vector<1x512xf32>
      %swap3A_27 = arith.constant 0 : index
      %swap3A_28 = arith.constant 0 : index
      %swap3A_29 = vector.load %arg4[%swap3A_27, %swap3A_28] : memref<1x512xf32, #tpu.memory_space<vmem>>, vector<1x512xf32>
      tpu.vector_store %arg4[%swap3A_27, %swap3A_28], %broadcast_in_dim3A_26 {strides = array<i32>} : memref<1x512xf32, #tpu.memory_space<vmem>>, vector<1x512xf32>,
    } else {
    }
    %get3A = arith.constant 0 : index
    %get3A_2 = arith.constant 0 : index
    %get3A_3 = arith.constant 0 : index
    %get3A_4 = vector.load %arg2[%get3A, %get3A_2, %get3A_3] : memref<1x512x512xf32, #tpu.memory_space<vmem>>, vector<1x512x512xf32>
    %get3A_5 = vector.shape_cast %get3A_4 : vector<1x512x512xf32> to vector<512x512xf32>
    %iota3A = tpu.iota {dimensions = array<i32: 0>} : vector<512x512xi32>
    %iota3A_6 = tpu.iota {dimensions = array<i32: 1>} : vector<512x512xi32>
    %ge3A = arith.cmpi sge, %iota3A, %iota3A_6 : vector<512x512xi32>
    %convert_element_type3A_7 = arith.extui %ge3A : vector<512x512xi1> to vector<512x512xi32>
    %convert_element_type3A_8 = arith.sitofp %convert_element_type3A_7 : vector<512x512xi32> to vector<512x512xf32>
    %dot_general3A = arith.constant dense<0.000000e+00> : vector<512x512xf32>
    %dot_general3A_9 = tpu.matmul %convert_element_type3A_8, %get3A_5, %dot_general3A {dimension_numbers = #tpu.dot_dimension_numbers<[1], [0], [0], [1], [0, 0, 1, 1], [], []>, transpose_lhs_hint = false} : vector<512x512xf32>, vector<512x512xf32>, vector<512x512xf32> -> vector<512x512xf32>
    %get3A_10 = arith.constant 0 : index
    %get3A_11 = arith.constant 0 : index
    %get3A_12 = vector.load %arg4[%get3A_10, %get3A_11] : memref<1x512xf32, #tpu.memory_space<vmem>>, vector<1x512xf32>
    %add3A = vector.broadcast %get3A_12 : vector<1x512xf32> to vector<512x512xf32>
    %add3A_13 = arith.addf %dot_general3A_9, %add3A : vector<512x512xf32>
    %swap3A = arith.constant 0 : index
    %swap3A_14 = arith.constant 0 : index
    %swap3A_15 = arith.constant 0 : index
    %swap3A_16 = vector.load %arg3[%swap3A, %swap3A_14, %swap3A_15] : memref<1x512x512xf32, #tpu.memory_space<vmem>>, vector<1x512x512xf32>
    %swap3A_17 = vector.shape_cast %swap3A_16 : vector<1x512x512xf32> to vector<512x512xf32>
    %swap3A_18 = vector.shape_cast %add3A_13 : vector<512x512xf32> to vector<1x512x512xf32>
    tpu.vector_store %arg3[%swap3A, %swap3A_14, %swap3A_15], %swap3A_18 {strides = array<i32>} : memref<1x512x512xf32, #tpu.memory_space<vmem>>, vector<1x512x512xf32>,
    %get3A_19 = arith.constant 0 : index
    %get3A_20 = arith.constant 0 : index
    %get3A_21 = vector.load %arg4[%get3A_19, %get3A_20] : memref<1x512xf32, #tpu.memory_space<vmem>>, vector<1x512xf32>
    %slice3A = vector.extract_strided_slice %dot_general3A_9 {offsets = [511, 0], sizes = [1, 512], strides = [1, 1]} : vector<512x512xf32> to vector<1x512xf32>
    %add3A_22 = arith.addf %get3A_21, %slice3A : vector<1x512xf32>
    %swap3A_23 = arith.constant 0 : index
    %swap3A_24 = arith.constant 0 : index
    %swap3A_25 = vector.load %arg4[%swap3A_23, %swap3A_24] : memref<1x512xf32, #tpu.memory_space<vmem>>, vector<1x512xf32>
    tpu.vector_store %arg4[%swap3A_23, %swap3A_24], %add3A_22 {strides = array<i32>} : memref<1x512xf32, #tpu.memory_space<vmem>>, vector<1x512xf32>,
    return
  }
  func.func @transform_0(%arg0: i32, %arg1: i32) -> (i32, i32, i32) {
    %c0_i32 = arith.constant 0 : i32
    %c0_i32_0 = arith.constant 0 : i32
    return %arg0, %arg1, %c0_i32 : i32, i32, i32
  }
  func.func @transform_1(%arg0: i32, %arg1: i32) -> (i32, i32, i32) {
    %c0_i32 = arith.constant 0 : i32
    %c0_i32_0 = arith.constant 0 : i32
    return %arg0, %arg1, %c0_i32 : i32, i32, i32
  }
}

</mosaic_0001>

<sc_bundles>
// kernel: kernel.6.cloned.1.call-start
scs
__scs_entry_jumppad:
0x0: {  	(pc) =	sbr.rel $0x88, $3  }
0x1: {  	(tag) =	ssettag $0x0;
	lr =	simm.s32 $0x1  }
0x2: {  	[smem:$0x3F9A] =	sst lr;
	_ =	strace $0xD0000000  }
0x3: {  	_ = 	snop  }
0x4: {  	_ = 	snop  }
0x5: {  	_ = 	snop  }
0x6: {  	_ = 	snop  }
0x7: {  	_ = 	snop  }
__scs_overlays_trampoline_lowered:
0x8: {  	[smem:$0x3FA9] =	sst s0  }
0x9: {  	[smem:$0x3FAA] =	sst s1  }
0xa: {  	[smem:$0x3FAB] =	sst s2  }
0xb: {  	[smem:$0x3FAC] =	sst s3  }
0xc: {  	[smem:$0x3FAD] =	sst s4  }
0xd: {  	[smem:$0x3FAE] =	sst s5  }
0xe: {  	[smem:$0x3FAF] =	sst s6  }
0xf: {  	[smem:$0x3FB0] =	sst s7  }
0x10: {  	[smem:$0x3FB1] =	sst s8  }
0x11: {  	[smem:$0x3FB2] =	sst s9;
	s0 =	simm.s32 @!p0 $0x0  }
0x12: {  	s1 =	sld [smem:$0x3F98];
	s0 =	simm.s32 @p0 $0x1  }
0x13: {  	[smem:$0x3FB3] =	sst s0;
	s0 =	simm.s32 @!p1 $0x0  }
0x14: {  	s2 =	sld [smem:$0x3F97];
	s0 =	simm.s32 @p1 $0x1  }
0x15: {  	[smem:$0x3FB4] =	sst s0;
	s0 =	simm.s32 @!p2 $0x0  }
0x16: {  	s3 =	sld [smem:$0x3FDB];
	s0 =	simm.s32 @p2 $0x1  }
0x17: {  	s4 =	simm.s32 $0x1BF5;
	[smem:$0x3FB6] =	sst s0  }
0x18: {  	s0 =	sld [smem:$0x3F99];
	_ =	swait.ge [sflag:s4], $0x0  }
0x19: {  	s7 =	sld [smem:$0x3F9A]  }
0x1a: {  	s8 =	sadd.s32 $0xFFFFE003, lr  }
0x1b: {  	s9 =	sadd.s32 $0xFFFFFEF7, lr;
	s5 =	simm.s32 $0xFFFFFFFF;
	p2 =	slt.u32 s8, $0xFFFFF086  }
0x1c: {  	p1 =	slt.u32 s9, $0xF7A;
	s5 =	simm.s32 @!p2 $0x0  }
0x1d: {  	s5 =	simm.s32 @p1 $0x1;
	p0 =	seq.s32 s7, s2  }
0x1e: {  	s7 =	smul.u32 @!p0 $0xF7A, s2;
	p2 =	seq.s32 @!p0 s5, $0x0  }
0x1f: {  	s9 =	smul.u32 $0xF7A, s1;
	s8 =	simm.s32 @!p0 $0x1BF5;
	p2 =	por !p2, p0  }
0x20: {  	[sflag:s8] =	ssyncset.s32 @!p0 $0xFFFFF086;
	s6 =	sadd.s32 @!p0 s3, s7;
	s7 =	simm.s32 @!p0 $0x108  }
0x21: {  	s3 =	sadd.s32 s3, s9;
	s6 =	sadd.s32 @!p0 $0x88, s6;
	s7 =	simm.s32 @p2 $0x1082  }
0x22: {  	[simem:s7], [sflag:s8] =	dma.local @!p0 [hbm:s6], $0xF7A  }
0x23: {  	s9 =	sor.u32 $0xD0000000, s2;
	s6 =	simm.s32 $0x108;
	_ =	swait.ge @!p0 [sflag:s8], $0x0  }
0x24: {  	s3 =	sadd.s32 $0x88, s3;
	s6 =	simm.s32 @!p1 $0x1082;
	[sflag:s4] =	ssyncset.s32 $0xFFFFF086  }
0x25: {  	[simem:s6], [sflag:s4] =	dma.local [hbm:s3], $0xF7A  }
0x26: {  	[smem:$0x3F9A] =	sst s1;
	(tag) =	ssettag s2;
	_ =	strace s9  }
0x27: {  	s1 =	sld [smem:$0x3FAA]  }
0x28: {  	s2 =	sld [smem:$0x3FAB]  }
0x29: {  	s4 =	sld [smem:$0x3FAD]  }
0x2a: {  	p0 =	seq.s32 s5, $0x0;
	s5 =	sld [smem:$0x3FAE]  }
0x2b: {  	s6 =	sld [smem:$0x3FAF]  }
0x2c: {  	s7 =	sld [smem:$0x3FB0]  }
0x2d: {  	s3 =	simm.s32 $0x108;
	s8 =	sld [smem:$0x3FB1]  }
0x2e: {  	s3 =	simm.s32 @!p0 $0x1082;
	s9 =	sld [smem:$0x3FB2]  }
0x2f: {  	lr =	sadd.s32 s0, s3;
	s0 =	sld [smem:$0x3FA9]  }
0x30: {  	s3 =	sld [smem:$0x3FAC]  }
0x31: {  	[smem:$0x3FB5] =	sst s10  }
0x32: {  	s10 =	sld [smem:$0x3FB3];
	_ =	sdelay $0x3  }
0x33: {  	p0 =	seq.s32 s10, $0x1;
	s10 =	sld [smem:$0x3FB5];
	_ =	sdelay $0x3  }
0x34: {  	[smem:$0x3FB5] =	sst s10  }
0x35: {  	s10 =	sld [smem:$0x3FB4];
	_ =	sdelay $0x3  }
0x36: {  	p1 =	seq.s32 s10, $0x1;
	s10 =	sld [smem:$0x3FB5];
	_ =	sdelay $0x3  }
0x37: {  	[smem:$0x3FB5] =	sst s10  }
0x38: {  	s10 =	sld [smem:$0x3FB6]  }
0x39: {  	_ = 	snop;
	(pc) =	sbr.ind lr, $3  }
0x3a: {  	_ = 	snop  }
0x3b: {  	_ = 	snop  }
0x3c: {  	p2 =	seq.s32 s10, $0x1;
	s10 =	sld [smem:$0x3FB5]  }
0x3d: {  	_ =	shalt  }
0x3e: {  	_ =	shalt  }
0x3f: {  	_ =	shalt  }
0x40: {  	_ =	shalt  }
0x41: {  	_ =	shalt  }
0x42: {  	_ =	shalt  }
0x43: {  	_ =	shalt  }
0x44: {  	_ =	shalt  }
0x45: {  	_ =	shalt  }
0x46: {  	_ =	shalt  }
0x47: {  	_ =	shalt  }
0x48: {  	_ =	shalt  }
0x49: {  	_ =	shalt  }
0x4a: {  	_ =	shalt  }
0x4b: {  	_ =	shalt  }
0x4c: {  	_ =	shalt  }
0x4d: {  	_ =	shalt  }
0x4e: {  	_ =	shalt  }
0x4f: {  	_ =	shalt  }
0x50: {  	_ =	shalt  }
0x51: {  	_ =	shalt  }
0x52: {  	_ =	shalt  }
0x53: {  	_ =	shalt  }
0x54: {  	_ =	shalt  }
0x55: {  	_ =	shalt  }
0x56: {  	_ =	shalt  }
0x57: {  	_ =	shalt  }
0x58: {  	_ =	shalt  }
0x59: {  	_ =	shalt  }
0x5a: {  	_ =	shalt  }
0x5b: {  	_ =	shalt  }
0x5c: {  	_ =	shalt  }
0x5d: {  	_ =	shalt  }
0x5e: {  	_ =	shalt  }
0x5f: {  	_ =	shalt  }
0x60: {  	_ =	shalt  }
0x61: {  	_ =	shalt  }
0x62: {  	_ =	shalt  }
0x63: {  	_ =	shalt  }
0x64: {  	_ =	shalt  }
0x65: {  	_ =	shalt  }
0x66: {  	_ =	shalt  }
0x67: {  	_ =	shalt  }
0x68: {  	_ =	shalt  }
0x69: {  	_ =	shalt  }
0x6a: {  	_ =	shalt  }
0x6b: {  	_ =	shalt  }
0x6c: {  	_ =	shalt  }
0x6d: {  	_ =	shalt  }
0x6e: {  	_ =	shalt  }
0x6f: {  	_ =	shalt  }
0x70: {  	_ =	shalt  }
0x71: {  	_ =	shalt  }
0x72: {  	_ =	shalt  }
0x73: {  	_ =	shalt  }
0x74: {  	_ =	shalt  }
0x75: {  	_ =	shalt  }
0x76: {  	_ =	shalt  }
0x77: {  	_ =	shalt  }
0x78: {  	_ =	shalt  }
0x79: {  	_ =	shalt  }
0x7a: {  	_ =	shalt  }
0x7b: {  	_ =	shalt  }
0x7c: {  	_ =	shalt  }
0x7d: {  	_ =	shalt  }
0x7e: {  	_ =	shalt  }
0x7f: {  	_ =	shalt  }
0x80: {  	_ =	shalt  }
0x81: {  	_ =	shalt  }
0x82: {  	_ =	shalt  }
0x83: {  	_ =	shalt  }
0x84: {  	_ =	shalt  }
0x85: {  	_ =	shalt  }
0x86: {  	_ =	shalt  }
0x87: {  	_ =	shalt  }
.Lfunc_end0:
.L_simem_size_0:
called_computation_lowered:
.L_overlay_start_0:
0x88: {  	s2 =	sld [smem:$0x3FD9]  }
0x89: {  	s3 =	sld [smem:$0x3FFE];
	_ =	sdelay $0x1  }
0x8a: {  	s1 =	srdreg.scid  }
0x8b: {  	s0 =	sand.u32 $0x1, s1  }
0x8c: {  	s14 =	sshll.u32 s0, $0xA;
	s2 =	sadd.s32 s3, s2  }
0x8d: {  	s2 =	sadd.s32 s2, s14  }
0x8e: {  	[smem:$0x3FC1] =	sst s2  }
0x8f: {  	_ = 	snop  }
0x90: {  	s2 =	sld [smem:$0x3FD0];
	_ =	sdelay $0x2  }
0x91: {  	s15 =	simm.s32 $0xA;
	s4 =	simm.s32 $0x10  }
0x92: {  	[smem:s4], [sflag:s15] =	dma.local [hbm:s2], $0x1  }
0x93: {  	_ =	swait.eq [sflag:s15], $0x1  }
0x94: {  	[sflag:s15] =	ssyncset.done $0x0  }
0x95: {  	s16 =	sld [smem:$0x10];
	[sflag:s15] =	ssyncadd.s32 $0xFFFFFFFF  }
0x96: {  	s17 =	sld [smem:$0x11];
	(tm) =	ssettm $0x1  }
0x97: {  	s18 =	sld [smem:$0x3FFB];
	_ =	sdelay $0x3  }
0x98: {  	_ =	strace s18  }
0x99: {  	s4 =	sld [smem:$0x3FFC];
	_ =	sdelay $0x3  }
0x9a: {  	_ =	strace s4  }
0x9b: {  	s4 =	sld [smem:$0x3FFD];
	_ =	sdelay $0x3  }
0x9c: {  	_ =	strace s4  }
0x9d: {  	_ =	strace $0x8FFFFFFF  }
0x9e: {  	s19 =	sld [smem:$0x3FDB];
	_ =	sdelay $0x1  }
0x9f: {  	s5 =	simm.s32 $_scs_section_size  }
0xa0: {  	s6 =	simm.s32 $_size__tile_overlayer_lowered;
	s7 =	simm.s32 $_tile_overlayer_lowered  }
0xa1: {  	s22 =	simm.s32 $0x1BFF;
	s21 =	sshll.u32 s7, $0x1;
	s4 =	sadd.s32 s5, s19  }
0xa2: {  	s8 =	simm.s32 $0x0;
	s20 =	sshll.u32 s6, $0x1;
	s6 =	sadd.s32 s21, s4  }
0xa3: {  	[timem:s8], [sflag:s22] =	dma.local [hbm:s6], s20  }
0xa4: {  	_ =	swait.ge [sflag:s22], s20  }
0xa5: {  	s5 =	ssub.s32 $0x0, s20;
	[sflag:s22] =	ssyncset.done $0x0  }
0xa6: {  	[sflag:s22] =	ssyncadd.s32 s5;
	_ =	sdelay $0x1  }
0xa7: {  	s23 =	simm.s32 $0x1B8B  }
0xa8: {  	_ =	swait.ge [sflag:s23], $0x1  }
0xa9: {  	[sflag:s23] =	ssyncset.done $0x0  }
0xaa: {  	s25 =	simm.s32 $0x1B8E;
	s24 =	sld [smem:$0x3FFE];
	[sflag:s23] =	ssyncadd.s32 $0xFFFFFFFF  }
0xab: {  	s26 =	simm.s32 $execute0_lowered;
	[smem:$0x3FD2] =	sst s25  }
0xac: {  	s6 =	sshll.u32 s26, $0x1;
	_ =	strace $0x80000046;
	[dreg:$0x1] =	wrdreg $0xFFFFFFFF  }
0xad: {  	s28 =	simm.s32 $_size_execute0_lowered;
	s4 =	sadd.s32 s4, s6;
	[dreg:$0x0] =	wrdreg $0x0  }
0xae: {  	s6 =	sshll.u32 s28, $0x1;
	[dreg:$0x2] =	wrdreg s4  }
0xaf: {  	[dreg:$0x3] =	wrdreg s6  }
0xb0: {  	[dreg:$0x4] =	wrdreg $0xC0  }
0xb1: {  	_ =	task [dreg:s8], $0x5FFFF  }
0xb2: {  	[dreg:$0x1] =	wrdreg $0xFFFFFFFF  }
0xb3: {  	[dreg:$0x0] =	wrdreg $0x60  }
0xb4: {  	[dreg:$0x2] =	wrdreg s16  }
0xb5: {  	[dreg:$0x3] =	wrdreg s24  }
0xb6: {  	[dreg:$0x4] =	wrdreg s17  }
0xb7: {  	[dreg:$0x5] =	wrdreg $0x50000  }
0xb8: {  	[dreg:$0x6] =	wrdreg $0x9  }
0xb9: {  	_ =	task.clear_ibuf [dreg:s8], $0x7FFFF;
	_ =	strace $0x90000046  }
0xba: {  	s29 =	simm.s32 $0x9;
	_ =	strace $0x80000048  }
0xbb: {  	_ =	swait.ge [sflag:s29], $0x1  }
0xbc: {  	[sflag:s29] =	ssyncadd.s32 $0xFFFFFFFF  }
0xbd: {  	_ =	strace $0x90000048  }
0xbe: {  	_ =	sfence  }
0xbf: {  	s30 =	sld [smem:$0x0];
	_ =	sdelay $0x2  }
0xc0: {  	s31 =	sshll.u32 s1, $0xD;
	s1 =	sshrl.u32 s1, $0x2  }
0xc1: {  	s3 =	sand.u32 $0x4000, s31;
	s1 =	sadd.s32 s1, s30  }
0xc2: {  	s0 =	sor.u32 s3, s0;
	s1 =	sshll.u32 s1, $0x11  }
0xc3: {  	s0 =	sor.u32 s1, s0  }
0xc4: {  	s0 =	sadd.s32 $0x8F2B, s0  }
0xc5: {  	[sflag:s0] =	ssyncadd.remote.s32 $0x1  }
0xc6: {  	_ =	sfence.sel $0xFFFF  }
0xc7: {  	[dreg:$0x0] =	wrdreg $0xFFFFFFFF;
	(pc) =	sbr.abs _section_cstart, $3  }
0xc8: {  	[dreg:$0x1] =	wrdreg $0xFFFFFFFF  }
0xc9: {  	_ =	task.clear_ibuf [dreg:s8], $0x2FFFF;
	_ =	strace $0x9FFFFFFF  }
0xca: {  	(tm) =	ssettm $0x7FFFFFFF  }
0xcb: {  	_ =	shalt  }
tec
execute0_lowered:
.L_overlay_start_1:
0x0: {  	(tag) =	ssettag $0x1  }
0x1: {  	s1 =	rddreg [dreg:$0x0]  }
0x2: {  	s0 =	rddreg [dreg:$0x1]  }
0x3: {  	s10 =	rddreg [dreg:$0x2]  }
0x4: {  	s2 =	rddreg [dreg:$0x3];
	s3 =	simm.s32 $0x0;
	s4 =	srdreg.scid  }
0x5: {  	s19 =	stileid.u32;
	[smem:$0x7FF] =	sst s3  }
0x6: {  	s5 =	sadd.s32 $0x1600, s0;
	s6 =	sadd.s32 $0x3F600, s0;
	s17 =	smul.u32 $0x60000, s19  }
0x7: {  	s7 =	sadd.s32 $0x7D600, s0;
	s9 =	sand.u32 $0x1, s4;
	s13 =	smul.u32 $0x1F000, s19  }
0x8: {  	s8 =	sadd.s32 $0xBB600, s0;
	s14 =	sadd.s32 $0xF9600, s0;
	s16 =	smul.u32 $0x18000, s19  }
0x9: {  	s19 =	sshll.u32 s19, $0x10;
	_ =	strace $0x80000047;
	s15 =	sshrl.u32 s13, $0x3  }
0xa: {  	s11 =	ssub.s32 $0x2, s9;
	s0 =	smul.u32 $0x300000, s9;
	s18 =	sadd.s32 s1, s15  }
0xb: {  	s9 =	sshll.u32 s9, $0x14;
	s21 =	sadd.s32 s5, s15;
	[dreg:$0x6] =	wrdreg s18  }
0xc: {  	s4 =	sshrl.u32 s17, $0x2;
	s26 =	sadd.s32 s6, s15;
	[dreg:$0x7] =	wrdreg s21  }
0xd: {  	s24 =	sor.u32 s19, s9;
	s29 =	sadd.s32 s7, s15;
	[dreg:$0xc] =	wrdreg s26  }
0xe: {  	s20 =	sadd.s32 s4, s2;
	s25 =	sshrl.u32 s24, $0x3;
	[dreg:$0xe] =	wrdreg s29  }
0xf: {  	s10 =	sadd.s32 s10, s25;
	[dreg:$0x5] =	wrdreg s20  }
0x10: {  	s22 =	sadd.s32 s16, s0;
	s21 =	sadd.s32 $0x3000, s20;
	[dreg:$0xd] =	wrdreg s10  }
0x11: {  	s17 =	sshrl.u32 s22, $0x3;
	s22 =	sadd.s32 $0x4000, s20;
	[dreg:$0x13] =	wrdreg s21  }
0x12: {  	s24 =	sadd.s32 $0x6000, s20;
	[dreg:$0x14] =	wrdreg s22  }
0x13: {  	s25 =	sadd.s32 $0x7000, s20;
	[dreg:$0x16] =	wrdreg s24  }
0x14: {  	s26 =	sadd.s32 $0x8000, s20;
	[dreg:$0x17] =	wrdreg s25  }
0x15: {  	s4 =	sadd.s32 $0x180000, s0;
	s29 =	sadd.s32 $0x9000, s20;
	[dreg:$0x18] =	wrdreg s26  }
0x16: {  	s18 =	sadd.s32 s16, s4;
	s16 =	sadd.s32 s16, s2;
	[dreg:$0x19] =	wrdreg s29  }
0x17: {  	s17 =	sadd.s32 s14, s17;
	[dreg:$0x9] =	wrdreg s16  }
0x18: {  	s23 =	sshrl.u32 s18, $0x3;
	s18 =	sadd.s32 $0x1000, s20;
	[dreg:$0x8] =	wrdreg s17  }
0x19: {  	s21 =	sadd.s32 $0xF000, s20;
	[dreg:$0x11] =	wrdreg s18  }
0x1a: {  	s22 =	sadd.s32 $0x10000, s20;
	[dreg:$0x1f] =	wrdreg s21  }
0x1b: {  	s24 =	sadd.s32 $0x12000, s20;
	[smem:$0x7D0] =	sst s22  }
0x1c: {  	s25 =	sadd.s32 $0x13000, s20;
	[smem:$0x7D2] =	sst s24  }
0x1d: {  	s26 =	sadd.s32 $0x14000, s20;
	[smem:$0x7D3] =	sst s25  }
0x1e: {  	s29 =	sadd.s32 $0x15000, s20;
	[smem:$0x7D4] =	sst s26  }
0x1f: {  	s14 =	sadd.s32 s14, s23;
	[smem:$0x7D5] =	sst s29  }
0x20: {  	s17 =	sadd.s32 s19, s2;
	s19 =	sadd.s32 $0x2000, s20;
	[dreg:$0xa] =	wrdreg s14  }
0x21: {  	s23 =	sadd.s32 $0x5000, s20;
	[dreg:$0x12] =	wrdreg s19  }
0x22: {  	s18 =	sadd.s32 $0xD000, s20;
	[dreg:$0x15] =	wrdreg s23  }
0x23: {  	s21 =	sadd.s32 $0x5000, s16;
	[dreg:$0x1d] =	wrdreg s18  }
0x24: {  	s22 =	sadd.s32 $0x6000, s16;
	[smem:$0x7DC] =	sst s21  }
0x25: {  	s24 =	sadd.s32 $0x8000, s16;
	[smem:$0x7DD] =	sst s22  }
0x26: {  	s25 =	sadd.s32 $0x9000, s16;
	[smem:$0x7DF] =	sst s24  }
0x27: {  	s26 =	sadd.s32 $0xA000, s16;
	[smem:$0x7E0] =	sst s25  }
0x28: {  	s29 =	sadd.s32 $0xB000, s16;
	[smem:$0x7E1] =	sst s26  }
0x29: {  	s12 =	sshrl.u32 s11, $0x1;
	[smem:$0x7E2] =	sst s29  }
0x2a: {  	s11 =	ssub.s32 s11, s12;
	s14 =	sadd.s32 s8, s15;
	[dreg:$0xb] =	wrdreg s17  }
0x2b: {  	s15 =	smax.u32 s11, $0x1;
	[dreg:$0xf] =	wrdreg s14  }
0x2c: {  	s11 =	sadd.s32 $0xA000, s20;
	[dreg:$0x10] =	wrdreg s15  }
0x2d: {  	s19 =	sadd.s32 $0xE000, s20;
	[dreg:$0x1a] =	wrdreg s11  }
0x2e: {  	s23 =	sadd.s32 $0x11000, s20;
	[dreg:$0x1e] =	wrdreg s19  }
0x2f: {  	s18 =	sadd.s32 $0x2000, s16;
	[smem:$0x7D1] =	sst s23  }
0x30: {  	s21 =	sadd.s32 $0x12000, s16;
	[smem:$0x7D9] =	sst s18  }
0x31: {  	s22 =	sadd.s32 $0x13000, s16;
	[smem:$0x7E9] =	sst s21  }
0x32: {  	s24 =	sadd.s32 $0x15000, s16;
	[smem:$0x7EA] =	sst s22  }
0x33: {  	s25 =	sadd.s32 $0x16000, s16;
	[smem:$0x7EC] =	sst s24  }
0x34: {  	s26 =	sadd.s32 $0x17000, s16;
	[smem:$0x7ED] =	sst s25  }
0x35: {  	s29 =	sadd.s32 $0x1000, s17;
	[smem:$0x7EE] =	sst s26  }
0x36: {  	s14 =	sadd.s32 $0xB000, s20;
	[smem:$0x7EF] =	sst s29  }
0x37: {  	s15 =	sadd.s32 $0xC000, s20;
	[dreg:$0x1b] =	wrdreg s14  }
0x38: {  	s11 =	sadd.s32 $0x16000, s20;
	[dreg:$0x1c] =	wrdreg s15  }
0x39: {  	s19 =	sadd.s32 $0x3000, s16;
	[smem:$0x7D6] =	sst s11  }
0x3a: {  	s23 =	sadd.s32 $0x7000, s16;
	[smem:$0x7DA] =	sst s19  }
0x3b: {  	s18 =	sadd.s32 $0xF000, s16;
	[smem:$0x7DE] =	sst s23  }
0x3c: {  	s21 =	sadd.s32 $0x9000, s17;
	[smem:$0x7E6] =	sst s18  }
0x3d: {  	s22 =	sadd.s32 $0xA000, s17;
	[smem:$0x7F7] =	sst s21  }
0x3e: {  	s24 =	sadd.s32 $0xC000, s17;
	[smem:$0x7F8] =	sst s22  }
0x3f: {  	s25 =	sadd.s32 $0xD000, s17;
	[smem:$0x7FA] =	sst s24  }
0x40: {  	s26 =	sadd.s32 $0xE000, s17;
	[smem:$0x7FB] =	sst s25  }
0x41: {  	s29 =	sadd.s32 $0xF000, s17;
	[smem:$0x7FC] =	sst s26  }
0x42: {  	s14 =	sadd.s32 $0x17000, s20;
	[smem:$0x7FD] =	sst s29  }
0x43: {  	s15 =	sadd.s32 $0x1000, s16;
	[smem:$0x7D7] =	sst s14  }
0x44: {  	s20 =	sadd.s32 $0x4000, s16;
	[smem:$0x7D8] =	sst s15  }
0x45: {  	s28 =	simm.s32 $0x4;
	s11 =	sadd.s32 $0xC000, s16;
	[smem:$0x7DB] =	sst s20  }
0x46: {  	s30 =	simm.s32 $0x2800;
	s19 =	sadd.s32 $0x10000, s16;
	[smem:$0x7E3] =	sst s11  }
0x47: {  	s31 =	simm.s32 $0x3000;
	s23 =	sadd.s32 $0x14000, s16;
	[smem:$0x7E7] =	sst s19  }
0x48: {  	s12 =	sor.u32 $0x400, s13;
	s18 =	sadd.s32 $0x6000, s17;
	[smem:$0x7EB] =	sst s23  }
0x49: {  	s13 =	sor.u32 $0x800, s13;
	s14 =	sadd.s32 $0xD000, s16;
	[smem:$0x7F4] =	sst s18  }
0x4a: {  	v1 =	vmov s4;
	s4 =	simm.s32 $0x0;
	s15 =	sadd.s32 $0xE000, s16;
	[smem:$0x7E4] =	sst s14  }
0x4b: {  	s21 =	simm.s32 $0xC00;
	s20 =	sadd.s32 $0x11000, s16;
	[smem:$0x7E5] =	sst s15  }
0x4c: {  	s22 =	simm.s32 $0x1800;
	s11 =	sadd.s32 $0x2000, s17;
	[smem:$0x7E8] =	sst s20  }
0x4d: {  	s24 =	simm.s32 $0x2;
	s16 =	sadd.s32 $0x5000, s17;
	[smem:$0x7F0] =	sst s11  }
0x4e: {  	s25 =	simm.s32 $0x2000;
	s19 =	sadd.s32 $0x7000, s17;
	[smem:$0x7F3] =	sst s16  }
0x4f: {  	s23 =	sadd.s32 $0xB000, s17;
	s18 =	simm.s32 $0x800;
	[smem:$0x7F5] =	sst s19  }
0x50: {  	s14 =	sadd.s32 $0x3000, s17;
	s15 =	sadd.s32 $0x4000, s17;
	[smem:$0x7F9] =	sst s23  }
0x51: {  	s20 =	sadd.s32 $0x8000, s17;
	s16 =	simm.s32 $0x5;
	[smem:$0x7F1] =	sst s14  }
0x52: {  	v3 =	vimm.f32 $0.0e+00;
	v4 =	vimm.f32 $1.000000000e+00;
	s19 =	simm.s32 $0x1;
	s23 =	simm.s32 $0x3800;
	[smem:$0x7F2] =	sst s15  }
0x53: {  	v5 =	vimm.f32 $-1.000000000e+00;
	v2 =	vmov s9;
	v0 =	vmov s0;
	[smem:$0x7F6] =	sst s20;
	s14 =	simm.s32 $0x4000;
	s20 =	simm.s32 $0x400  }
.LBB2_1:
0x54: {  	[smem:$0x7CF] =	sst s4;
	s0 =	simm.s32 $0x0  }
.LBB2_2:
0x55: {  	p0 =	sne.s32 s0, $0x3FC0  }
.Ltmp0:
0x56: {  	_ = 	snop;
	(pc) =	sbr.rel @p0 .LBB2_2-.Ltmp0, $3  }
0x57: {  	_ =	sdelay $0x1  }
0x58: {  	s4 =	sshra.s32 s0, $0x2  }
0x59: {  	s0 =	sadd.s32 $0x40, s0;
	[tilespmem:s4+$0x4000] =	vst v3  }
0x5a: {  	s9 =	simm.s32 $0x0;
	s0 =	simm.s32 $0x3800  }
0x5b: {  	s4 =	simm.s32 $0x10;
	[tilespmem:s0+$0x0] =	vst v4;
	s9 =	sand.u32 $0x3F0, s9  }
.LBB2_4:
0x5c: {  	p0 =	sne.s32 s4, $0x3F0  }
0x5d: {  	[tilespmem:s9+$0x3C00] =	vst v5;
	s0 =	sadd.s32 $0x10, s0;
	s9 =	smov.u32 s4;
	s4 =	sadd.s32 $0x10, s4  }
.Ltmp1:
0x5e: {  	(pc) =	sbr.rel @p0 .LBB2_4-.Ltmp1, $2  }
0x5f: {  	_ =	sdelay $0x2  }
0x60: {  	s9 =	sand.u32 $0x3F0, s9;
	[tilespmem:s0+$0x0] =	vst v4  }
0x61: {  	[tilespmem:s9+$0x3C00] =	vst v5;
	s0 =	rddreg [dreg:$0x5]  }
0x62: {  	[spmem:s0] =	stream.linear.scatter [tilespmem:s14], [sflag:$0x5], $0x1000, $0x38;
	[tilespmem:$0x1D200] =	vst v63  }
0x63: {  	_ =	swait.ge [sflag:s16], $0x1000  }
0x64: {  	[sflag:s16] =	ssyncset.done $0x0  }
0x65: {  	s29 =	rddreg [dreg:$0x11];
	[sflag:s16] =	ssyncadd.s32 $0xFFFFF000  }
0x66: {  	[spmem:s29] =	stream.linear.scatter [tilespmem:s14], [sflag:$0x5], $0x1000, $0x38;
	[tilespmem:$0x1D200] =	vst v63  }
0x67: {  	_ =	swait.ge [sflag:s16], $0x1000  }
0x68: {  	[sflag:s16] =	ssyncset.done $0x0  }
0x69: {  	s4 =	rddreg [dreg:$0x12];
	[sflag:s16] =	ssyncadd.s32 $0xFFFFF000  }
0x6a: {  	[spmem:s4] =	stream.linear.scatter [tilespmem:s14], [sflag:$0x5], $0x1000, $0x38;
	[tilespmem:$0x1D200] =	vst v63  }
0x6b: {  	_ =	swait.ge [sflag:s16], $0x1000  }
0x6c: {  	[sflag:s16] =	ssyncset.done $0x0  }
0x6d: {  	s9 =	rddreg [dreg:$0x13];
	[sflag:s16] =	ssyncadd.s32 $0xFFFFF000  }
0x6e: {  	[spmem:s9] =	stream.linear.scatter [tilespmem:s14], [sflag:$0x5], $0x1000, $0x38;
	[tilespmem:$0x1D200] =	vst v63  }
0x6f: {  	_ =	swait.ge [sflag:s16], $0x1000  }
0x70: {  	[sflag:s16] =	ssyncset.done $0x0  }
0x71: {  	s10 =	rddreg [dreg:$0x14];
	[sflag:s16] =	ssyncadd.s32 $0xFFFFF000  }
0x72: {  	[spmem:s10] =	stream.linear.scatter [tilespmem:s14], [sflag:$0x5], $0x1000, $0x38;
	[tilespmem:$0x1D200] =	vst v63  }
0x73: {  	_ =	swait.ge [sflag:s16], $0x1000  }
0x74: {  	[sflag:s16] =	ssyncset.done $0x0  }
0x75: {  	s11 =	rddreg [dreg:$0x15];
	[sflag:s16] =	ssyncadd.s32 $0xFFFFF000  }
0x76: {  	[spmem:s11] =	stream.linear.scatter [tilespmem:s14], [sflag:$0x5], $0x1000, $0x38;
	[tilespmem:$0x1D200] =	vst v63  }
0x77: {  	_ =	swait.ge [sflag:s16], $0x1000  }
0x78: {  	[sflag:s16] =	ssyncset.done $0x0  }
0x79: {  	s15 =	rddreg [dreg:$0x16];
	[sflag:s16] =	ssyncadd.s32 $0xFFFFF000  }
0x7a: {  	[spmem:s15] =	stream.linear.scatter [tilespmem:s14], [sflag:$0x5], $0x1000, $0x38;
	[tilespmem:$0x1D200] =	vst v63  }
0x7b: {  	_ =	swait.ge [sflag:s16], $0x1000  }
0x7c: {  	[sflag:s16] =	ssyncset.done $0x0  }
0x7d: {  	s17 =	rddreg [dreg:$0x17];
	[sflag:s16] =	ssyncadd.s32 $0xFFFFF000  }
0x7e: {  	[spmem:s17] =	stream.linear.scatter [tilespmem:s14], [sflag:$0x5], $0x1000, $0x38;
	[tilespmem:$0x1D200] =	vst v63  }
0x7f: {  	_ =	swait.ge [sflag:s16], $0x1000  }
0x80: {  	[sflag:s16] =	ssyncset.done $0x0  }
0x81: {  	s26 =	rddreg [dreg:$0x18];
	[sflag:s16] =	ssyncadd.s32 $0xFFFFF000  }
0x82: {  	[spmem:s26] =	stream.linear.scatter [tilespmem:s14], [sflag:$0x5], $0x1000, $0x38;
	[tilespmem:$0x1D200] =	vst v63  }
0x83: {  	_ =	swait.ge [sflag:s16], $0x1000  }
0x84: {  	[sflag:s16] =	ssyncset.done $0x0  }
0x85: {  	s29 =	rddreg [dreg:$0x19];
	[sflag:s16] =	ssyncadd.s32 $0xFFFFF000  }
0x86: {  	[spmem:s29] =	stream.linear.scatter [tilespmem:s14], [sflag:$0x5], $0x1000, $0x38;
	[tilespmem:$0x1D200] =	vst v63  }
0x87: {  	_ =	swait.ge [sflag:s16], $0x1000  }
0x88: {  	[sflag:s16] =	ssyncset.done $0x0  }
0x89: {  	s4 =	rddreg [dreg:$0x1a];
	[sflag:s16] =	ssyncadd.s32 $0xFFFFF000  }
0x8a: {  	[spmem:s4] =	stream.linear.scatter [tilespmem:s14], [sflag:$0x5], $0x1000, $0x38;
	[tilespmem:$0x1D200] =	vst v63  }
0x8b: {  	_ =	swait.ge [sflag:s16], $0x1000  }
0x8c: {  	[sflag:s16] =	ssyncset.done $0x0  }
0x8d: {  	s9 =	rddreg [dreg:$0x1b];
	[sflag:s16] =	ssyncadd.s32 $0xFFFFF000  }
0x8e: {  	[spmem:s9] =	stream.linear.scatter [tilespmem:s14], [sflag:$0x5], $0x1000, $0x38;
	[tilespmem:$0x1D200] =	vst v63  }
0x8f: {  	_ =	swait.ge [sflag:s16], $0x1000  }
0x90: {  	[sflag:s16] =	ssyncset.done $0x0  }
0x91: {  	s10 =	rddreg [dreg:$0x1c];
	[sflag:s16] =	ssyncadd.s32 $0xFFFFF000  }
0x92: {  	[spmem:s10] =	stream.linear.scatter [tilespmem:s14], [sflag:$0x5], $0x1000, $0x38;
	[tilespmem:$0x1D200] =	vst v63  }
0x93: {  	_ =	swait.ge [sflag:s16], $0x1000  }
0x94: {  	[sflag:s16] =	ssyncset.done $0x0  }
0x95: {  	s11 =	rddreg [dreg:$0x1d];
	[sflag:s16] =	ssyncadd.s32 $0xFFFFF000  }
0x96: {  	[spmem:s11] =	stream.linear.scatter [tilespmem:s14], [sflag:$0x5], $0x1000, $0x38;
	[tilespmem:$0x1D200] =	vst v63  }
0x97: {  	_ =	swait.ge [sflag:s16], $0x1000  }
0x98: {  	[sflag:s16] =	ssyncset.done $0x0  }
0x99: {  	s15 =	rddreg [dreg:$0x1e];
	[sflag:s16] =	ssyncadd.s32 $0xFFFFF000  }
0x9a: {  	[spmem:s15] =	stream.linear.scatter [tilespmem:s14], [sflag:$0x5], $0x1000, $0x38;
	[tilespmem:$0x1D200] =	vst v63  }
0x9b: {  	_ =	swait.ge [sflag:s16], $0x1000  }
0x9c: {  	[sflag:s16] =	ssyncset.done $0x0  }
0x9d: {  	s17 =	rddreg [dreg:$0x1f];
	[sflag:s16] =	ssyncadd.s32 $0xFFFFF000  }
0x9e: {  	[spmem:s17] =	stream.linear.scatter [tilespmem:s14], [sflag:$0x5], $0x1000, $0x38;
	[tilespmem:$0x1D200] =	vst v63  }
0x9f: {  	_ =	swait.ge [sflag:s16], $0x1000  }
0xa0: {  	s26 =	sld [smem:$0x7D0]  }
0xa1: {  	[sflag:s16] =	ssyncset.done $0x0  }
0xa2: {  	[sflag:s16] =	ssyncadd.s32 $0xFFFFF000  }
0xa3: {  	[spmem:s26] =	stream.linear.scatter [tilespmem:s14], [sflag:$0x5], $0x1000, $0x38;
	[tilespmem:$0x1D200] =	vst v63  }
0xa4: {  	_ =	swait.ge [sflag:s16], $0x1000  }
0xa5: {  	s29 =	sld [smem:$0x7D1]  }
0xa6: {  	[sflag:s16] =	ssyncset.done $0x0  }
0xa7: {  	[sflag:s16] =	ssyncadd.s32 $0xFFFFF000  }
0xa8: {  	[spmem:s29] =	stream.linear.scatter [tilespmem:s14], [sflag:$0x5], $0x1000, $0x38;
	[tilespmem:$0x1D200] =	vst v63  }
0xa9: {  	_ =	swait.ge [sflag:s16], $0x1000  }
0xaa: {  	s4 =	sld [smem:$0x7D2]  }
0xab: {  	[sflag:s16] =	ssyncset.done $0x0  }
0xac: {  	[sflag:s16] =	ssyncadd.s32 $0xFFFFF000  }
0xad: {  	[spmem:s4] =	stream.linear.scatter [tilespmem:s14], [sflag:$0x5], $0x1000, $0x38;
	[tilespmem:$0x1D200] =	vst v63  }
0xae: {  	_ =	swait.ge [sflag:s16], $0x1000  }
0xaf: {  	s9 =	sld [smem:$0x7D3]  }
0xb0: {  	[sflag:s16] =	ssyncset.done $0x0  }
0xb1: {  	[sflag:s16] =	ssyncadd.s32 $0xFFFFF000  }
0xb2: {  	[spmem:s9] =	stream.linear.scatter [tilespmem:s14], [sflag:$0x5], $0x1000, $0x38;
	[tilespmem:$0x1D200] =	vst v63  }
0xb3: {  	_ =	swait.ge [sflag:s16], $0x1000  }
0xb4: {  	s10 =	sld [smem:$0x7D4]  }
0xb5: {  	[sflag:s16] =	ssyncset.done $0x0  }
0xb6: {  	[sflag:s16] =	ssyncadd.s32 $0xFFFFF000  }
0xb7: {  	[spmem:s10] =	stream.linear.scatter [tilespmem:s14], [sflag:$0x5], $0x1000, $0x38;
	[tilespmem:$0x1D200] =	vst v63  }
0xb8: {  	_ =	swait.ge [sflag:s16], $0x1000  }
0xb9: {  	s11 =	sld [smem:$0x7D5]  }
0xba: {  	[sflag:s16] =	ssyncset.done $0x0  }
0xbb: {  	[sflag:s16] =	ssyncadd.s32 $0xFFFFF000  }
0xbc: {  	[spmem:s11] =	stream.linear.scatter [tilespmem:s14], [sflag:$0x5], $0x1000, $0x38;
	[tilespmem:$0x1D200] =	vst v63  }
0xbd: {  	_ =	swait.ge [sflag:s16], $0x1000  }
0xbe: {  	s15 =	sld [smem:$0x7D6]  }
0xbf: {  	[sflag:s16] =	ssyncset.done $0x0  }
0xc0: {  	[sflag:s16] =	ssyncadd.s32 $0xFFFFF000  }
0xc1: {  	[spmem:s15] =	stream.linear.scatter [tilespmem:s14], [sflag:$0x5], $0x1000, $0x38;
	[tilespmem:$0x1D200] =	vst v63  }
0xc2: {  	_ =	swait.ge [sflag:s16], $0x1000  }
0xc3: {  	s17 =	sld [smem:$0x7D7]  }
0xc4: {  	[sflag:s16] =	ssyncset.done $0x0  }
0xc5: {  	[sflag:s16] =	ssyncadd.s32 $0xFFFFF000  }
0xc6: {  	[spmem:s17] =	stream.linear.scatter [tilespmem:s14], [sflag:$0x5], $0x1000, $0x38;
	[tilespmem:$0x1D200] =	vst v63  }
0xc7: {  	_ =	swait.ge [sflag:s16], $0x1000  }
0xc8: {  	[sflag:s16] =	ssyncset.done $0x0  }
0xc9: {  	[sflag:s16] =	ssyncadd.s32 $0xFFFFF000  }
0xca: {  	[bflag:$0x0] =	sbarrier.arrive $0xFFFF  }
0xcb: {  	s4 =	simm.s32 $0x0;
	s26 =	rddreg [dreg:$0x6]  }
0xcc: {  	[tilespmem:s4], [sflag:$0x1] =	stream.linear.gather [hbm4b:s26+s4], $0x400, $0x38;
	[tilespmem:$0x1D200] =	vst v63  }
0xcd: {  	s9 =	simm.s32 $0x0;
	s29 =	rddreg [dreg:$0x7]  }
0xce: {  	[tilespmem:s18], [sflag:$0x1] =	stream.linear.gather [hbm4b:s29+s4], $0x400, $0x38;
	[tilespmem:$0x1D200] =	vst v63  }
.LBB2_6:
0xcf: {  	_ =	swait.ge [sflag:s19], $0x400  }
0xd0: {  	[sflag:s19] =	ssyncset.done $0x0  }
0xd1: {  	s10 =	sshll.u32 s9, $0xB;
	[sflag:s19] =	ssyncadd.s32 $0xFFFFFC00  }
0xd2: {  	s0 =	sadd.s32 s10, s12;
	_ =	swait.ge [sflag:s19], $0x400  }
0xd3: {  	s0 =	sshrl.u32 s0, $0x3;
	[sflag:s19] =	ssyncset.done $0x0  }
0xd4: {  	s11 =	sadd.s32 s1, s0;
	[sflag:s19] =	ssyncadd.s32 $0xFFFFFC00  }
0xd5: {  	[tilespmem:s20], [sflag:$0x2] =	stream.linear.gather [hbm4b:s11+s3], $0x400, $0x38;
	[tilespmem:$0x1D200] =	vst v63  }
0xd6: {  	p0 =	seq.s32 s9, $0x0;
	s0 =	sadd.s32 s5, s0  }
0xd7: {  	[tilespmem:s21], [sflag:$0x2] =	stream.linear.gather [hbm4b:s0+s3], $0x400, $0x38;
	[tilespmem:$0x1D200] =	vst v63  }
0xd8: {  	s0 =	simm.s32 @!p0 $0x3  }
0xd9: {  	_ =	swait.ge @!p0 [sflag:s0], $0x800  }
0xda: {  	[sflag:s0] =	ssyncset.done @!p0 $0x0  }
0xdb: {  	[sflag:s0] =	ssyncadd.s32 @!p0 $0xFFFFF800  }
0xdc: {  	s26 =	simm.s32 $0x800;
	v6 =	vld [tilespmem:s4+$0x0]  }
0xdd: {  	v7 =	vld [tilespmem:s26+$0x0];
	_ =	sdelay $0x4  }
0xde: {  	v8 =	vand.u32 $0x1FFF, v6;
	v6 =	vsub.s32 v6, v0;
	v9 =	vsub.s32 v7, v0  }
0xdf: {  	v7 =	vand.u32 $0x1FFF, v7;
	v8 =	vor.u32 $0x180000, v8;
	vm0 =	vlt.u32 v6, $0x180000  }
0xe0: {  	s11 =	simm.s32 $0x1800;
	v7 =	vor.u32 $0x180000, v7;
	vm1 =	vlt.u32 v9, $0x180000;
	v6 =	vsel vm0, v6, v8  }
0xe1: {  	s29 =	sand.u32 $0x3F0, s4;
	[tilespmem:s11+$0x0] =	vst v6;
	v6 =	vsel vm1, v9, v7  }
0xe2: {  	s15 =	simm.s32 $0x10;
	[tilespmem:s29+$0x1C00] =	vst v6  }
0xe3: {  	v7 =	vld [tilespmem:s15+$0x0]  }
0xe4: {  	s17 =	simm.s32 $0x810  }
0xe5: {  	s0 =	simm.s32 $0x10;
	s26 =	simm.s32 $0x20;
	v6 =	vld [tilespmem:s17+$0x0]  }
.LBB2_7:
0xe6: {  	p0 =	sne.s32 s26, $0x3F0;
	_ =	sdelay $0x1  }
0xe7: {  	v8 =	vand.u32 $0x1FFF, v7  }
0xe8: {  	v7 =	vsub.s32 v7, v0;
	v8 =	vor.u32 $0x180000, v8  }
0xe9: {  	vm0 =	vlt.u32 v7, $0x180000;
	v9 =	vsub.s32 v6, v0;
	v6 =	vand.u32 $0x1FFF, v6  }
0xea: {  	s11 =	sadd.s32 $0x10, s11;
	v7 =	vsel vm0, v7, v8;
	v6 =	vor.u32 $0x180000, v6;
	vm1 =	vlt.u32 v9, $0x180000  }
.Ltmp2:
0xeb: {  	s29 =	sand.u32 $0x3F0, s15;
	s15 =	smov.u32 s26;
	[tilespmem:s11+$0x0] =	vst v7;
	v6 =	vsel vm1, v9, v6;
	(pc) =	sbr.rel @p0 .LBB2_7-.Ltmp2, $4  }
0xec: {  	s0 =	sadd.s32 $0x10, s0;
	[tilespmem:s29+$0x1C00] =	vst v6  }
0xed: {  	v7 =	vld [tilespmem:s0+$0x0]  }
0xee: {  	s17 =	sadd.s32 $0x10, s17  }
0xef: {  	s26 =	sadd.s32 $0x10, s26;
	v6 =	vld [tilespmem:s17+$0x0]  }
0xf0: {  	_ =	sdelay $0x1  }
0xf1: {  	v8 =	vand.u32 $0x1FFF, v7  }
0xf2: {  	v7 =	vsub.s32 v7, v0;
	v8 =	vor.u32 $0x180000, v8  }
0xf3: {  	vm0 =	vlt.u32 v7, $0x180000;
	v9 =	vsub.s32 v6, v0;
	v6 =	vand.u32 $0x1FFF, v6  }
0xf4: {  	s0 =	sadd.s32 $0x10, s11;
	v7 =	vsel vm0, v7, v8;
	v6 =	vor.u32 $0x180000, v6;
	vm1 =	vlt.u32 v9, $0x180000  }
0xf5: {  	s15 =	sand.u32 $0x3F0, s15;
	[tilespmem:s0+$0x0] =	vst v7;
	v6 =	vsel vm1, v9, v6  }
0xf6: {  	[tilespmem:s15+$0x1C00] =	vst v6  }
0xf7: {  	[spmem:s2] =	stream.indirect.scatter.add.f32 [tilespmem:s23], [sflag:$0x3], $0x1, s22, s18, $0xb8;
	[tilespmem:$0x1D200] =	vst v63  }
0xf8: {  	_ =	swait.ge [sflag:s24], $0x400  }
0xf9: {  	[sflag:s24] =	ssyncset.done $0x0  }
0xfa: {  	p0 =	seq.s32 s9, $0x3D;
	[sflag:s24] =	ssyncadd.s32 $0xFFFFFC00  }
0xfb: {  	s0 =	sadd.s32 @!p0 s10, s13;
	_ =	swait.ge [sflag:s24], $0x400  }
0xfc: {  	s0 =	sshrl.u32 @!p0 s0, $0x3;
	[sflag:s24] =	ssyncset.done $0x0  }
0xfd: {  	s11 =	simm.s32 @!p0 $0x0;
	s10 =	sadd.s32 @!p0 s1, s0;
	[sflag:s24] =	ssyncadd.s32 $0xFFFFFC00  }
0xfe: {  	[tilespmem:s11], [sflag:$0x1] =	stream.linear.gather @!p0 [hbm4b:s10+s11], $0x400, $0x38;
	[tilespmem:$0x1D200] =	vst v63  }
0xff: {  	p1 =	seq.s32 @!p0 s9, $0x0;
	s0 =	sadd.s32 @!p0 s5, s0;
	s10 =	simm.s32 @!p0 $0x800  }
0x100: {  	[tilespmem:s10], [sflag:$0x1] =	stream.linear.gather @!p0 [hbm4b:s0+s11], $0x400, $0x38;
	[tilespmem:$0x1D200] =	vst v63  }
0x101: {  	p0 =	por p0, !p1  }
0x102: {  	_ =	swait.ge @p0 [sflag:s28], $0x800  }
0x103: {  	[sflag:s28] =	ssyncset.done @p0 $0x0  }
0x104: {  	s17 =	simm.s32 $0x400;
	[sflag:s28] =	ssyncadd.s32 @p0 $0xFFFFF800  }
0x105: {  	s26 =	simm.s32 $0xC00;
	v6 =	vld [tilespmem:s17+$0x0]  }
0x106: {  	v7 =	vld [tilespmem:s26+$0x0];
	_ =	sdelay $0x4  }
0x107: {  	v8 =	vand.u32 $0x1FFF, v6;
	v6 =	vsub.s32 v6, v0;
	v63 =	vsub.s32 v7, v0  }
0x108: {  	v7 =	vand.u32 $0x1FFF, v7;
	v8 =	vor.u32 $0x180000, v8;
	vm14 =	vlt.u32 v6, $0x180000  }
0x109: {  	s29 =	simm.s32 $0x0;
	s10 =	simm.s32 $0x2000;
	v7 =	vor.u32 $0x180000, v7;
	vm15 =	vlt.u32 v63, $0x180000;
	v6 =	vsel vm14, v6, v8  }
0x10a: {  	s0 =	sand.u32 $0x3F0, s29;
	[tilespmem:s10+$0x0] =	vst v6;
	v6 =	vsel vm15, v63, v7  }
0x10b: {  	s15 =	simm.s32 $0x410;
	[tilespmem:s0+$0x2400] =	vst v6  }
0x10c: {  	v6 =	vld [tilespmem:s15+$0x0]  }
0x10d: {  	s17 =	simm.s32 $0xC10  }
0x10e: {  	s9 =	sadd.s32 $0x1, s9;
	s11 =	simm.s32 $0x10;
	s0 =	simm.s32 $0x20;
	v7 =	vld [tilespmem:s17+$0x0]  }
.LBB2_9:
0x10f: {  	p0 =	sne.s32 s0, $0x3F0;
	_ =	sdelay $0x1  }
0x110: {  	v8 =	vand.u32 $0x1FFF, v6  }
0x111: {  	v6 =	vsub.s32 v6, v0;
	v8 =	vor.u32 $0x180000, v8  }
0x112: {  	vm0 =	vlt.u32 v6, $0x180000;
	v9 =	vsub.s32 v7, v0;
	v7 =	vand.u32 $0x1FFF, v7  }
0x113: {  	s10 =	sadd.s32 $0x10, s10;
	v6 =	vsel vm0, v6, v8;
	v7 =	vor.u32 $0x180000, v7;
	vm1 =	vlt.u32 v9, $0x180000  }
.Ltmp3:
0x114: {  	s26 =	sand.u32 $0x3F0, s11;
	s11 =	smov.u32 s0;
	[tilespmem:s10+$0x0] =	vst v6;
	v6 =	vsel vm1, v9, v7;
	(pc) =	sbr.rel @p0 .LBB2_9-.Ltmp3, $4  }
0x115: {  	s15 =	sadd.s32 $0x10, s15;
	[tilespmem:s26+$0x2400] =	vst v6  }
0x116: {  	v6 =	vld [tilespmem:s15+$0x0]  }
0x117: {  	s17 =	sadd.s32 $0x10, s17  }
0x118: {  	s0 =	sadd.s32 $0x10, s0;
	v7 =	vld [tilespmem:s17+$0x0]  }
0x119: {  	_ =	sdelay $0x1  }
0x11a: {  	v8 =	vand.u32 $0x1FFF, v6  }
0x11b: {  	p0 =	sne.s32 s9, $0x3E;
	v6 =	vsub.s32 v6, v0;
	v8 =	vor.u32 $0x180000, v8  }
.Ltmp4:
0x11c: {  	vm0 =	vlt.u32 v6, $0x180000;
	v9 =	vsub.s32 v7, v0;
	v7 =	vand.u32 $0x1FFF, v7;
	(pc) =	sbr.rel @p0 .LBB2_6-.Ltmp4, $4  }
0x11d: {  	s0 =	sadd.s32 $0x10, s10;
	v6 =	vsel vm0, v6, v8;
	v7 =	vor.u32 $0x180000, v7;
	vm1 =	vlt.u32 v9, $0x180000  }
0x11e: {  	s29 =	sand.u32 $0x3F0, s11;
	[tilespmem:s0+$0x0] =	vst v6;
	v6 =	vsel vm1, v9, v7  }
0x11f: {  	[tilespmem:s29+$0x2400] =	vst v6  }
0x120: {  	[spmem:s2] =	stream.indirect.scatter.add.f32 [tilespmem:s23], [sflag:$0x4], $0x1, s25, s18, $0xb8;
	[tilespmem:$0x1D200] =	vst v63  }
0x121: {  	s0 =	simm.s32 $0x3  }
0x122: {  	_ =	swait.ge [sflag:s0], $0x800  }
0x123: {  	[sflag:s0] =	ssyncset.done $0x0  }
0x124: {  	[sflag:s0] =	ssyncadd.s32 $0xFFFFF800  }
0x125: {  	_ =	swait.ge [sflag:s28], $0x800  }
0x126: {  	[sflag:s28] =	ssyncset.done $0x0  }
0x127: {  	[sflag:s28] =	ssyncadd.s32 $0xFFFFF800  }
0x128: {  	s17 =	stileid.u32;
	[bflag:$0x0] =	sbarrier.arrive $0xFFFF  }
0x129: {  	s0 =	sshll.u32 s17, $0x6;
	s4 =	rddreg [dreg:$0x9]  }
0x12a: {  	s9 =	sor.u32 $0x1C05, s0;
	s26 =	rddreg [dreg:$0x8]  }
0x12b: {  	[smem:$0x7CD] =	sst s9;
	s10 =	sshrl.u32 s4, $0x3  }
0x12c: {  	[smem:$0x7CE] =	sst s10  }
0x12d: {  	[hbm:s26], [sflag:s9] =	dma.local [spmem:s10], $0x3000  }
0x12e: {  	_ =	swait.ge [sflag:s16], $0x3000  }
0x12f: {  	[sflag:s16] =	ssyncset.done $0x0  }
0x130: {  	[sflag:s16] =	ssyncadd.s32 $0xFFFFD000  }
0x131: {  	[bflag:$0x0] =	sbarrier.arrive $0xFFFF  }
0x132: {  	[spmem:s4] =	stream.linear.scatter [tilespmem:s14], [sflag:$0x5], $0x1000, $0x38;
	[tilespmem:$0x1D200] =	vst v63  }
0x133: {  	_ =	swait.ge [sflag:s16], $0x1000  }
0x134: {  	s29 =	sld [smem:$0x7D8]  }
0x135: {  	[sflag:s16] =	ssyncset.done $0x0  }
0x136: {  	[sflag:s16] =	ssyncadd.s32 $0xFFFFF000  }
0x137: {  	[spmem:s29] =	stream.linear.scatter [tilespmem:s14], [sflag:$0x5], $0x1000, $0x38;
	[tilespmem:$0x1D200] =	vst v63  }
0x138: {  	_ =	swait.ge [sflag:s16], $0x1000  }
0x139: {  	s4 =	sld [smem:$0x7D9]  }
0x13a: {  	[sflag:s16] =	ssyncset.done $0x0  }
0x13b: {  	[sflag:s16] =	ssyncadd.s32 $0xFFFFF000  }
0x13c: {  	[spmem:s4] =	stream.linear.scatter [tilespmem:s14], [sflag:$0x5], $0x1000, $0x38;
	[tilespmem:$0x1D200] =	vst v63  }
0x13d: {  	_ =	swait.ge [sflag:s16], $0x1000  }
0x13e: {  	s9 =	sld [smem:$0x7DA]  }
0x13f: {  	[sflag:s16] =	ssyncset.done $0x0  }
0x140: {  	[sflag:s16] =	ssyncadd.s32 $0xFFFFF000  }
0x141: {  	[spmem:s9] =	stream.linear.scatter [tilespmem:s14], [sflag:$0x5], $0x1000, $0x38;
	[tilespmem:$0x1D200] =	vst v63  }
0x142: {  	_ =	swait.ge [sflag:s16], $0x1000  }
0x143: {  	s10 =	sld [smem:$0x7DB]  }
0x144: {  	[sflag:s16] =	ssyncset.done $0x0  }
0x145: {  	[sflag:s16] =	ssyncadd.s32 $0xFFFFF000  }
0x146: {  	[spmem:s10] =	stream.linear.scatter [tilespmem:s14], [sflag:$0x5], $0x1000, $0x38;
	[tilespmem:$0x1D200] =	vst v63  }
0x147: {  	_ =	swait.ge [sflag:s16], $0x1000  }
0x148: {  	s11 =	sld [smem:$0x7DC]  }
0x149: {  	[sflag:s16] =	ssyncset.done $0x0  }
0x14a: {  	[sflag:s16] =	ssyncadd.s32 $0xFFFFF000  }
0x14b: {  	[spmem:s11] =	stream.linear.scatter [tilespmem:s14], [sflag:$0x5], $0x1000, $0x38;
	[tilespmem:$0x1D200] =	vst v63  }
0x14c: {  	_ =	swait.ge [sflag:s16], $0x1000  }
0x14d: {  	s15 =	sld [smem:$0x7DD]  }
0x14e: {  	[sflag:s16] =	ssyncset.done $0x0  }
0x14f: {  	[sflag:s16] =	ssyncadd.s32 $0xFFFFF000  }
0x150: {  	[spmem:s15] =	stream.linear.scatter [tilespmem:s14], [sflag:$0x5], $0x1000, $0x38;
	[tilespmem:$0x1D200] =	vst v63  }
0x151: {  	_ =	swait.ge [sflag:s16], $0x1000  }
0x152: {  	s17 =	sld [smem:$0x7DE]  }
0x153: {  	[sflag:s16] =	ssyncset.done $0x0  }
0x154: {  	[sflag:s16] =	ssyncadd.s32 $0xFFFFF000  }
0x155: {  	[spmem:s17] =	stream.linear.scatter [tilespmem:s14], [sflag:$0x5], $0x1000, $0x38;
	[tilespmem:$0x1D200] =	vst v63  }
0x156: {  	_ =	swait.ge [sflag:s16], $0x1000  }
0x157: {  	s26 =	sld [smem:$0x7DF]  }
0x158: {  	[sflag:s16] =	ssyncset.done $0x0  }
0x159: {  	[sflag:s16] =	ssyncadd.s32 $0xFFFFF000  }
0x15a: {  	[spmem:s26] =	stream.linear.scatter [tilespmem:s14], [sflag:$0x5], $0x1000, $0x38;
	[tilespmem:$0x1D200] =	vst v63  }
0x15b: {  	_ =	swait.ge [sflag:s16], $0x1000  }
0x15c: {  	s29 =	sld [smem:$0x7E0]  }
0x15d: {  	[sflag:s16] =	ssyncset.done $0x0  }
0x15e: {  	[sflag:s16] =	ssyncadd.s32 $0xFFFFF000  }
0x15f: {  	[spmem:s29] =	stream.linear.scatter [tilespmem:s14], [sflag:$0x5], $0x1000, $0x38;
	[tilespmem:$0x1D200] =	vst v63  }
0x160: {  	_ =	swait.ge [sflag:s16], $0x1000  }
0x161: {  	s4 =	sld [smem:$0x7E1]  }
0x162: {  	[sflag:s16] =	ssyncset.done $0x0  }
0x163: {  	[sflag:s16] =	ssyncadd.s32 $0xFFFFF000  }
0x164: {  	[spmem:s4] =	stream.linear.scatter [tilespmem:s14], [sflag:$0x5], $0x1000, $0x38;
	[tilespmem:$0x1D200] =	vst v63  }
0x165: {  	_ =	swait.ge [sflag:s16], $0x1000  }
0x166: {  	s9 =	sld [smem:$0x7E2]  }
0x167: {  	[sflag:s16] =	ssyncset.done $0x0  }
0x168: {  	[sflag:s16] =	ssyncadd.s32 $0xFFFFF000  }
0x169: {  	[spmem:s9] =	stream.linear.scatter [tilespmem:s14], [sflag:$0x5], $0x1000, $0x38;
	[tilespmem:$0x1D200] =	vst v63  }
0x16a: {  	_ =	swait.ge [sflag:s16], $0x1000  }
0x16b: {  	s10 =	sld [smem:$0x7E3]  }
0x16c: {  	[sflag:s16] =	ssyncset.done $0x0  }
0x16d: {  	[sflag:s16] =	ssyncadd.s32 $0xFFFFF000  }
0x16e: {  	[spmem:s10] =	stream.linear.scatter [tilespmem:s14], [sflag:$0x5], $0x1000, $0x38;
	[tilespmem:$0x1D200] =	vst v63  }
0x16f: {  	_ =	swait.ge [sflag:s16], $0x1000  }
0x170: {  	s11 =	sld [smem:$0x7E4]  }
0x171: {  	[sflag:s16] =	ssyncset.done $0x0  }
0x172: {  	[sflag:s16] =	ssyncadd.s32 $0xFFFFF000  }
0x173: {  	[spmem:s11] =	stream.linear.scatter [tilespmem:s14], [sflag:$0x5], $0x1000, $0x38;
	[tilespmem:$0x1D200] =	vst v63  }
0x174: {  	_ =	swait.ge [sflag:s16], $0x1000  }
0x175: {  	s15 =	sld [smem:$0x7E5]  }
0x176: {  	[sflag:s16] =	ssyncset.done $0x0  }
0x177: {  	[sflag:s16] =	ssyncadd.s32 $0xFFFFF000  }
0x178: {  	[spmem:s15] =	stream.linear.scatter [tilespmem:s14], [sflag:$0x5], $0x1000, $0x38;
	[tilespmem:$0x1D200] =	vst v63  }
0x179: {  	_ =	swait.ge [sflag:s16], $0x1000  }
0x17a: {  	s17 =	sld [smem:$0x7E6]  }
0x17b: {  	[sflag:s16] =	ssyncset.done $0x0  }
0x17c: {  	[sflag:s16] =	ssyncadd.s32 $0xFFFFF000  }
0x17d: {  	[spmem:s17] =	stream.linear.scatter [tilespmem:s14], [sflag:$0x5], $0x1000, $0x38;
	[tilespmem:$0x1D200] =	vst v63  }
0x17e: {  	_ =	swait.ge [sflag:s16], $0x1000  }
0x17f: {  	s26 =	sld [smem:$0x7E7]  }
0x180: {  	[sflag:s16] =	ssyncset.done $0x0  }
0x181: {  	[sflag:s16] =	ssyncadd.s32 $0xFFFFF000  }
0x182: {  	[spmem:s26] =	stream.linear.scatter [tilespmem:s14], [sflag:$0x5], $0x1000, $0x38;
	[tilespmem:$0x1D200] =	vst v63  }
0x183: {  	_ =	swait.ge [sflag:s16], $0x1000  }
0x184: {  	s29 =	sld [smem:$0x7E8]  }
0x185: {  	[sflag:s16] =	ssyncset.done $0x0  }
0x186: {  	[sflag:s16] =	ssyncadd.s32 $0xFFFFF000  }
0x187: {  	[spmem:s29] =	stream.linear.scatter [tilespmem:s14], [sflag:$0x5], $0x1000, $0x38;
	[tilespmem:$0x1D200] =	vst v63  }
0x188: {  	_ =	swait.ge [sflag:s16], $0x1000  }
0x189: {  	s4 =	sld [smem:$0x7E9]  }
0x18a: {  	[sflag:s16] =	ssyncset.done $0x0  }
0x18b: {  	[sflag:s16] =	ssyncadd.s32 $0xFFFFF000  }
0x18c: {  	[spmem:s4] =	stream.linear.scatter [tilespmem:s14], [sflag:$0x5], $0x1000, $0x38;
	[tilespmem:$0x1D200] =	vst v63  }
0x18d: {  	_ =	swait.ge [sflag:s16], $0x1000  }
0x18e: {  	s9 =	sld [smem:$0x7EA]  }
0x18f: {  	[sflag:s16] =	ssyncset.done $0x0  }
0x190: {  	[sflag:s16] =	ssyncadd.s32 $0xFFFFF000  }
0x191: {  	[spmem:s9] =	stream.linear.scatter [tilespmem:s14], [sflag:$0x5], $0x1000, $0x38;
	[tilespmem:$0x1D200] =	vst v63  }
0x192: {  	_ =	swait.ge [sflag:s16], $0x1000  }
0x193: {  	s10 =	sld [smem:$0x7EB]  }
0x194: {  	[sflag:s16] =	ssyncset.done $0x0  }
0x195: {  	[sflag:s16] =	ssyncadd.s32 $0xFFFFF000  }
0x196: {  	[spmem:s10] =	stream.linear.scatter [tilespmem:s14], [sflag:$0x5], $0x1000, $0x38;
	[tilespmem:$0x1D200] =	vst v63  }
0x197: {  	_ =	swait.ge [sflag:s16], $0x1000  }
0x198: {  	s11 =	sld [smem:$0x7EC]  }
0x199: {  	[sflag:s16] =	ssyncset.done $0x0  }
0x19a: {  	[sflag:s16] =	ssyncadd.s32 $0xFFFFF000  }
0x19b: {  	[spmem:s11] =	stream.linear.scatter [tilespmem:s14], [sflag:$0x5], $0x1000, $0x38;
	[tilespmem:$0x1D200] =	vst v63  }
0x19c: {  	_ =	swait.ge [sflag:s16], $0x1000  }
0x19d: {  	s15 =	sld [smem:$0x7ED]  }
0x19e: {  	[sflag:s16] =	ssyncset.done $0x0  }
0x19f: {  	[sflag:s16] =	ssyncadd.s32 $0xFFFFF000  }
0x1a0: {  	[spmem:s15] =	stream.linear.scatter [tilespmem:s14], [sflag:$0x5], $0x1000, $0x38;
	[tilespmem:$0x1D200] =	vst v63  }
0x1a1: {  	_ =	swait.ge [sflag:s16], $0x1000  }
0x1a2: {  	s17 =	sld [smem:$0x7EE]  }
0x1a3: {  	[sflag:s16] =	ssyncset.done $0x0  }
0x1a4: {  	[sflag:s16] =	ssyncadd.s32 $0xFFFFF000  }
0x1a5: {  	[spmem:s17] =	stream.linear.scatter [tilespmem:s14], [sflag:$0x5], $0x1000, $0x38;
	[tilespmem:$0x1D200] =	vst v63  }
0x1a6: {  	_ =	swait.ge [sflag:s16], $0x1000  }
0x1a7: {  	[sflag:s16] =	ssyncset.done $0x0  }
0x1a8: {  	[sflag:s16] =	ssyncadd.s32 $0xFFFFF000  }
0x1a9: {  	[bflag:$0x0] =	sbarrier.arrive $0xFFFF  }
0x1aa: {  	s10 =	simm.s32 $0x0;
	s26 =	rddreg [dreg:$0x6]  }
0x1ab: {  	[tilespmem:s10], [sflag:$0x1] =	stream.linear.gather [hbm4b:s26+s10], $0x400, $0x38;
	[tilespmem:$0x1D200] =	vst v63  }
0x1ac: {  	s11 =	simm.s32 $0x0;
	s29 =	rddreg [dreg:$0x7]  }
0x1ad: {  	[tilespmem:s18], [sflag:$0x1] =	stream.linear.gather [hbm4b:s29+s10], $0x400, $0x38;
	[tilespmem:$0x1D200] =	vst v63  }
.LBB2_12:
0x1ae: {  	_ =	swait.ge [sflag:s19], $0x400  }
0x1af: {  	[sflag:s19] =	ssyncset.done $0x0  }
0x1b0: {  	s17 =	sshll.u32 s11, $0xB;
	[sflag:s19] =	ssyncadd.s32 $0xFFFFFC00  }
0x1b1: {  	s0 =	sadd.s32 s17, s12;
	_ =	swait.ge [sflag:s19], $0x400  }
0x1b2: {  	s0 =	sshrl.u32 s0, $0x3;
	[sflag:s19] =	ssyncset.done $0x0  }
0x1b3: {  	s4 =	sadd.s32 s1, s0;
	[sflag:s19] =	ssyncadd.s32 $0xFFFFFC00  }
0x1b4: {  	[tilespmem:s20], [sflag:$0x2] =	stream.linear.gather [hbm4b:s4+s3], $0x400, $0x38;
	[tilespmem:$0x1D200] =	vst v63  }
0x1b5: {  	p0 =	seq.s32 s11, $0x0;
	s0 =	sadd.s32 s5, s0  }
0x1b6: {  	[tilespmem:s21], [sflag:$0x2] =	stream.linear.gather [hbm4b:s0+s3], $0x400, $0x38;
	[tilespmem:$0x1D200] =	vst v63  }
0x1b7: {  	s0 =	simm.s32 @!p0 $0x3  }
0x1b8: {  	_ =	swait.ge @!p0 [sflag:s0], $0x800  }
0x1b9: {  	[sflag:s0] =	ssyncset.done @!p0 $0x0  }
0x1ba: {  	[sflag:s0] =	ssyncadd.s32 @!p0 $0xFFFFF800  }
0x1bb: {  	s26 =	simm.s32 $0x800;
	v6 =	vld [tilespmem:s10+$0x0]  }
0x1bc: {  	v7 =	vld [tilespmem:s26+$0x0];
	_ =	sdelay $0x4  }
0x1bd: {  	v8 =	vand.u32 $0x1FFF, v6;
	v6 =	vsub.s32 v6, v1;
	v9 =	vsub.s32 v7, v1  }
0x1be: {  	v7 =	vand.u32 $0x1FFF, v7;
	v8 =	vor.u32 $0x180000, v8;
	vm0 =	vlt.u32 v6, $0x180000  }
0x1bf: {  	s15 =	simm.s32 $0x1800;
	v7 =	vor.u32 $0x180000, v7;
	vm1 =	vlt.u32 v9, $0x180000;
	v6 =	vsel vm0, v6, v8  }
0x1c0: {  	s29 =	sand.u32 $0x3F0, s10;
	[tilespmem:s15+$0x0] =	vst v6;
	v6 =	vsel vm1, v9, v7  }
0x1c1: {  	s26 =	simm.s32 $0x10;
	[tilespmem:s29+$0x1C00] =	vst v6  }
0x1c2: {  	v7 =	vld [tilespmem:s26+$0x0]  }
0x1c3: {  	s4 =	simm.s32 $0x810  }
0x1c4: {  	s9 =	simm.s32 $0x10;
	s0 =	simm.s32 $0x20;
	v6 =	vld [tilespmem:s4+$0x0]  }
.LBB2_13:
0x1c5: {  	p0 =	sne.s32 s0, $0x3F0;
	_ =	sdelay $0x1  }
0x1c6: {  	v8 =	vand.u32 $0x1FFF, v7  }
0x1c7: {  	v7 =	vsub.s32 v7, v1;
	v8 =	vor.u32 $0x180000, v8  }
0x1c8: {  	vm0 =	vlt.u32 v7, $0x180000;
	v9 =	vsub.s32 v6, v1;
	v6 =	vand.u32 $0x1FFF, v6  }
0x1c9: {  	s15 =	sadd.s32 $0x10, s15;
	v7 =	vsel vm0, v7, v8;
	v6 =	vor.u32 $0x180000, v6;
	vm1 =	vlt.u32 v9, $0x180000  }
.Ltmp5:
0x1ca: {  	s29 =	sand.u32 $0x3F0, s26;
	s26 =	smov.u32 s0;
	[tilespmem:s15+$0x0] =	vst v7;
	v6 =	vsel vm1, v9, v6;
	(pc) =	sbr.rel @p0 .LBB2_13-.Ltmp5, $4  }
0x1cb: {  	s9 =	sadd.s32 $0x10, s9;
	[tilespmem:s29+$0x1C00] =	vst v6  }
0x1cc: {  	v7 =	vld [tilespmem:s9+$0x0]  }
0x1cd: {  	s4 =	sadd.s32 $0x10, s4  }
0x1ce: {  	s0 =	sadd.s32 $0x10, s0;
	v6 =	vld [tilespmem:s4+$0x0]  }
0x1cf: {  	_ =	sdelay $0x1  }
0x1d0: {  	v8 =	vand.u32 $0x1FFF, v7  }
0x1d1: {  	v7 =	vsub.s32 v7, v1;
	v8 =	vor.u32 $0x180000, v8  }
0x1d2: {  	vm0 =	vlt.u32 v7, $0x180000;
	v9 =	vsub.s32 v6, v1;
	v6 =	vand.u32 $0x1FFF, v6  }
0x1d3: {  	s0 =	sadd.s32 $0x10, s15;
	v7 =	vsel vm0, v7, v8;
	v6 =	vor.u32 $0x180000, v6;
	vm1 =	vlt.u32 v9, $0x180000  }
0x1d4: {  	s15 =	sand.u32 $0x3F0, s26;
	[tilespmem:s0+$0x0] =	vst v7;
	v6 =	vsel vm1, v9, v6  }
0x1d5: {  	[tilespmem:s15+$0x1C00] =	vst v6  }
0x1d6: {  	[spmem:s2] =	stream.indirect.scatter.add.f32 [tilespmem:s23], [sflag:$0x3], $0x1, s22, s18, $0xb8;
	[tilespmem:$0x1D200] =	vst v63  }
0x1d7: {  	_ =	swait.ge [sflag:s24], $0x400  }
0x1d8: {  	[sflag:s24] =	ssyncset.done $0x0  }
0x1d9: {  	p0 =	seq.s32 s11, $0x3D;
	[sflag:s24] =	ssyncadd.s32 $0xFFFFFC00  }
0x1da: {  	s0 =	sadd.s32 @!p0 s17, s13;
	_ =	swait.ge [sflag:s24], $0x400  }
0x1db: {  	s0 =	sshrl.u32 @!p0 s0, $0x3;
	[sflag:s24] =	ssyncset.done $0x0  }
0x1dc: {  	s9 =	simm.s32 @!p0 $0x0;
	s4 =	sadd.s32 @!p0 s1, s0;
	[sflag:s24] =	ssyncadd.s32 $0xFFFFFC00  }
0x1dd: {  	[tilespmem:s9], [sflag:$0x1] =	stream.linear.gather @!p0 [hbm4b:s4+s9], $0x400, $0x38;
	[tilespmem:$0x1D200] =	vst v63  }
0x1de: {  	p1 =	seq.s32 @!p0 s11, $0x0;
	s0 =	sadd.s32 @!p0 s5, s0;
	s4 =	simm.s32 @!p0 $0x800  }
0x1df: {  	[tilespmem:s4], [sflag:$0x1] =	stream.linear.gather @!p0 [hbm4b:s0+s9], $0x400, $0x38;
	[tilespmem:$0x1D200] =	vst v63  }
0x1e0: {  	p0 =	por p0, !p1  }
0x1e1: {  	_ =	swait.ge @p0 [sflag:s28], $0x800  }
0x1e2: {  	[sflag:s28] =	ssyncset.done @p0 $0x0  }
0x1e3: {  	s17 =	simm.s32 $0x400;
	[sflag:s28] =	ssyncadd.s32 @p0 $0xFFFFF800  }
0x1e4: {  	s26 =	simm.s32 $0xC00;
	v6 =	vld [tilespmem:s17+$0x0]  }
0x1e5: {  	v7 =	vld [tilespmem:s26+$0x0];
	_ =	sdelay $0x4  }
0x1e6: {  	v8 =	vand.u32 $0x1FFF, v6;
	v6 =	vsub.s32 v6, v1;
	v63 =	vsub.s32 v7, v1  }
0x1e7: {  	v7 =	vand.u32 $0x1FFF, v7;
	v8 =	vor.u32 $0x180000, v8;
	vm14 =	vlt.u32 v6, $0x180000  }
0x1e8: {  	s29 =	simm.s32 $0x0;
	s17 =	simm.s32 $0x2000;
	v7 =	vor.u32 $0x180000, v7;
	vm15 =	vlt.u32 v63, $0x180000;
	v6 =	vsel vm14, v6, v8  }
0x1e9: {  	s0 =	sand.u32 $0x3F0, s29;
	[tilespmem:s17+$0x0] =	vst v6;
	v6 =	vsel vm15, v63, v7  }
0x1ea: {  	s26 =	simm.s32 $0x410;
	[tilespmem:s0+$0x2400] =	vst v6  }
0x1eb: {  	v6 =	vld [tilespmem:s26+$0x0]  }
0x1ec: {  	s4 =	simm.s32 $0xC10  }
0x1ed: {  	s11 =	sadd.s32 $0x1, s11;
	s15 =	simm.s32 $0x10;
	s0 =	simm.s32 $0x20;
	v7 =	vld [tilespmem:s4+$0x0]  }
.LBB2_15:
0x1ee: {  	p0 =	sne.s32 s0, $0x3F0;
	_ =	sdelay $0x1  }
0x1ef: {  	v8 =	vand.u32 $0x1FFF, v6  }
0x1f0: {  	v6 =	vsub.s32 v6, v1;
	v8 =	vor.u32 $0x180000, v8  }
0x1f1: {  	vm0 =	vlt.u32 v6, $0x180000;
	v9 =	vsub.s32 v7, v1;
	v7 =	vand.u32 $0x1FFF, v7  }
0x1f2: {  	s17 =	sadd.s32 $0x10, s17;
	v6 =	vsel vm0, v6, v8;
	v7 =	vor.u32 $0x180000, v7;
	vm1 =	vlt.u32 v9, $0x180000  }
.Ltmp6:
0x1f3: {  	s9 =	sand.u32 $0x3F0, s15;
	s15 =	smov.u32 s0;
	[tilespmem:s17+$0x0] =	vst v6;
	v6 =	vsel vm1, v9, v7;
	(pc) =	sbr.rel @p0 .LBB2_15-.Ltmp6, $4  }
0x1f4: {  	s26 =	sadd.s32 $0x10, s26;
	[tilespmem:s9+$0x2400] =	vst v6  }
0x1f5: {  	v6 =	vld [tilespmem:s26+$0x0]  }
0x1f6: {  	s4 =	sadd.s32 $0x10, s4  }
0x1f7: {  	s0 =	sadd.s32 $0x10, s0;
	v7 =	vld [tilespmem:s4+$0x0]  }
0x1f8: {  	_ =	sdelay $0x1  }
0x1f9: {  	v8 =	vand.u32 $0x1FFF, v6  }
0x1fa: {  	p0 =	sne.s32 s11, $0x3E;
	v6 =	vsub.s32 v6, v1;
	v8 =	vor.u32 $0x180000, v8  }
.Ltmp7:
0x1fb: {  	vm0 =	vlt.u32 v6, $0x180000;
	v9 =	vsub.s32 v7, v1;
	v7 =	vand.u32 $0x1FFF, v7;
	(pc) =	sbr.rel @p0 .LBB2_12-.Ltmp7, $4  }
0x1fc: {  	s0 =	sadd.s32 $0x10, s17;
	v6 =	vsel vm0, v6, v8;
	v7 =	vor.u32 $0x180000, v7;
	vm1 =	vlt.u32 v9, $0x180000  }
0x1fd: {  	s29 =	sand.u32 $0x3F0, s15;
	[tilespmem:s0+$0x0] =	vst v6;
	v6 =	vsel vm1, v9, v7  }
0x1fe: {  	[tilespmem:s29+$0x2400] =	vst v6  }
0x1ff: {  	[spmem:s2] =	stream.indirect.scatter.add.f32 [tilespmem:s23], [sflag:$0x4], $0x1, s25, s18, $0xb8;
	[tilespmem:$0x1D200] =	vst v63  }
0x200: {  	s0 =	simm.s32 $0x3  }
0x201: {  	_ =	swait.ge [sflag:s0], $0x800  }
0x202: {  	[sflag:s0] =	ssyncset.done $0x0  }
0x203: {  	[sflag:s0] =	ssyncadd.s32 $0xFFFFF800  }
0x204: {  	_ =	swait.ge [sflag:s28], $0x800  }
0x205: {  	[sflag:s28] =	ssyncset.done $0x0  }
0x206: {  	[sflag:s28] =	ssyncadd.s32 $0xFFFFF800  }
0x207: {  	[bflag:$0x0] =	sbarrier.arrive $0xFFFF  }
0x208: {  	s4 =	sld [smem:$0x7CD]  }
0x209: {  	s9 =	sld [smem:$0x7CE];
	_ =	sdelay $0x1  }
0x20a: {  	s29 =	rddreg [dreg:$0xa]  }
0x20b: {  	[hbm:s29], [sflag:s4] =	dma.local [spmem:s9], $0x3000  }
0x20c: {  	_ =	swait.ge [sflag:s16], $0x3000  }
0x20d: {  	[sflag:s16] =	ssyncset.done $0x0  }
0x20e: {  	[sflag:s16] =	ssyncadd.s32 $0xFFFFD000  }
0x20f: {  	[bflag:$0x0] =	sbarrier.arrive $0xFFFF  }
0x210: {  	s17 =	rddreg [dreg:$0xb]  }
0x211: {  	[spmem:s17] =	stream.linear.scatter [tilespmem:s14], [sflag:$0x5], $0x1000, $0x38;
	[tilespmem:$0x1D200] =	vst v63  }
0x212: {  	_ =	swait.ge [sflag:s16], $0x1000  }
0x213: {  	s10 =	sld [smem:$0x7EF]  }
0x214: {  	[sflag:s16] =	ssyncset.done $0x0  }
0x215: {  	[sflag:s16] =	ssyncadd.s32 $0xFFFFF000  }
0x216: {  	[spmem:s10] =	stream.linear.scatter [tilespmem:s14], [sflag:$0x5], $0x1000, $0x38;
	[tilespmem:$0x1D200] =	vst v63  }
0x217: {  	_ =	swait.ge [sflag:s16], $0x1000  }
0x218: {  	s11 =	sld [smem:$0x7F0]  }
0x219: {  	[sflag:s16] =	ssyncset.done $0x0  }
0x21a: {  	[sflag:s16] =	ssyncadd.s32 $0xFFFFF000  }
0x21b: {  	[spmem:s11] =	stream.linear.scatter [tilespmem:s14], [sflag:$0x5], $0x1000, $0x38;
	[tilespmem:$0x1D200] =	vst v63  }
0x21c: {  	_ =	swait.ge [sflag:s16], $0x1000  }
0x21d: {  	s15 =	sld [smem:$0x7F1]  }
0x21e: {  	[sflag:s16] =	ssyncset.done $0x0  }
0x21f: {  	[sflag:s16] =	ssyncadd.s32 $0xFFFFF000  }
0x220: {  	[spmem:s15] =	stream.linear.scatter [tilespmem:s14], [sflag:$0x5], $0x1000, $0x38;
	[tilespmem:$0x1D200] =	vst v63  }
0x221: {  	_ =	swait.ge [sflag:s16], $0x1000  }
0x222: {  	s26 =	sld [smem:$0x7F2]  }
0x223: {  	[sflag:s16] =	ssyncset.done $0x0  }
0x224: {  	[sflag:s16] =	ssyncadd.s32 $0xFFFFF000  }
0x225: {  	[spmem:s26] =	stream.linear.scatter [tilespmem:s14], [sflag:$0x5], $0x1000, $0x38;
	[tilespmem:$0x1D200] =	vst v63  }
0x226: {  	_ =	swait.ge [sflag:s16], $0x1000  }
0x227: {  	s29 =	sld [smem:$0x7F3]  }
0x228: {  	[sflag:s16] =	ssyncset.done $0x0  }
0x229: {  	[sflag:s16] =	ssyncadd.s32 $0xFFFFF000  }
0x22a: {  	[spmem:s29] =	stream.linear.scatter [tilespmem:s14], [sflag:$0x5], $0x1000, $0x38;
	[tilespmem:$0x1D200] =	vst v63  }
0x22b: {  	_ =	swait.ge [sflag:s16], $0x1000  }
0x22c: {  	s4 =	sld [smem:$0x7F4]  }
0x22d: {  	[sflag:s16] =	ssyncset.done $0x0  }
0x22e: {  	[sflag:s16] =	ssyncadd.s32 $0xFFFFF000  }
0x22f: {  	[spmem:s4] =	stream.linear.scatter [tilespmem:s14], [sflag:$0x5], $0x1000, $0x38;
	[tilespmem:$0x1D200] =	vst v63  }
0x230: {  	_ =	swait.ge [sflag:s16], $0x1000  }
0x231: {  	s9 =	sld [smem:$0x7F5]  }
0x232: {  	[sflag:s16] =	ssyncset.done $0x0  }
0x233: {  	[sflag:s16] =	ssyncadd.s32 $0xFFFFF000  }
0x234: {  	[spmem:s9] =	stream.linear.scatter [tilespmem:s14], [sflag:$0x5], $0x1000, $0x38;
	[tilespmem:$0x1D200] =	vst v63  }
0x235: {  	_ =	swait.ge [sflag:s16], $0x1000  }
0x236: {  	s10 =	sld [smem:$0x7F6]  }
0x237: {  	[sflag:s16] =	ssyncset.done $0x0  }
0x238: {  	[sflag:s16] =	ssyncadd.s32 $0xFFFFF000  }
0x239: {  	[spmem:s10] =	stream.linear.scatter [tilespmem:s14], [sflag:$0x5], $0x1000, $0x38;
	[tilespmem:$0x1D200] =	vst v63  }
0x23a: {  	_ =	swait.ge [sflag:s16], $0x1000  }
0x23b: {  	s11 =	sld [smem:$0x7F7]  }
0x23c: {  	[sflag:s16] =	ssyncset.done $0x0  }
0x23d: {  	[sflag:s16] =	ssyncadd.s32 $0xFFFFF000  }
0x23e: {  	[spmem:s11] =	stream.linear.scatter [tilespmem:s14], [sflag:$0x5], $0x1000, $0x38;
	[tilespmem:$0x1D200] =	vst v63  }
0x23f: {  	_ =	swait.ge [sflag:s16], $0x1000  }
0x240: {  	s15 =	sld [smem:$0x7F8]  }
0x241: {  	[sflag:s16] =	ssyncset.done $0x0  }
0x242: {  	[sflag:s16] =	ssyncadd.s32 $0xFFFFF000  }
0x243: {  	[spmem:s15] =	stream.linear.scatter [tilespmem:s14], [sflag:$0x5], $0x1000, $0x38;
	[tilespmem:$0x1D200] =	vst v63  }
0x244: {  	_ =	swait.ge [sflag:s16], $0x1000  }
0x245: {  	s26 =	sld [smem:$0x7F9]  }
0x246: {  	[sflag:s16] =	ssyncset.done $0x0  }
0x247: {  	[sflag:s16] =	ssyncadd.s32 $0xFFFFF000  }
0x248: {  	[spmem:s26] =	stream.linear.scatter [tilespmem:s14], [sflag:$0x5], $0x1000, $0x38;
	[tilespmem:$0x1D200] =	vst v63  }
0x249: {  	_ =	swait.ge [sflag:s16], $0x1000  }
0x24a: {  	s29 =	sld [smem:$0x7FA]  }
0x24b: {  	[sflag:s16] =	ssyncset.done $0x0  }
0x24c: {  	[sflag:s16] =	ssyncadd.s32 $0xFFFFF000  }
0x24d: {  	[spmem:s29] =	stream.linear.scatter [tilespmem:s14], [sflag:$0x5], $0x1000, $0x38;
	[tilespmem:$0x1D200] =	vst v63  }
0x24e: {  	_ =	swait.ge [sflag:s16], $0x1000  }
0x24f: {  	s4 =	sld [smem:$0x7FB]  }
0x250: {  	[sflag:s16] =	ssyncset.done $0x0  }
0x251: {  	[sflag:s16] =	ssyncadd.s32 $0xFFFFF000  }
0x252: {  	[spmem:s4] =	stream.linear.scatter [tilespmem:s14], [sflag:$0x5], $0x1000, $0x38;
	[tilespmem:$0x1D200] =	vst v63  }
0x253: {  	_ =	swait.ge [sflag:s16], $0x1000  }
0x254: {  	s9 =	sld [smem:$0x7FC]  }
0x255: {  	[sflag:s16] =	ssyncset.done $0x0  }
0x256: {  	[sflag:s16] =	ssyncadd.s32 $0xFFFFF000  }
0x257: {  	[spmem:s9] =	stream.linear.scatter [tilespmem:s14], [sflag:$0x5], $0x1000, $0x38;
	[tilespmem:$0x1D200] =	vst v63  }
0x258: {  	_ =	swait.ge [sflag:s16], $0x1000  }
0x259: {  	s10 =	sld [smem:$0x7FD]  }
0x25a: {  	[sflag:s16] =	ssyncset.done $0x0  }
0x25b: {  	[sflag:s16] =	ssyncadd.s32 $0xFFFFF000  }
0x25c: {  	[spmem:s10] =	stream.linear.scatter [tilespmem:s14], [sflag:$0x5], $0x1000, $0x38;
	[tilespmem:$0x1D200] =	vst v63  }
0x25d: {  	_ =	swait.ge [sflag:s16], $0x1000  }
0x25e: {  	[sflag:s16] =	ssyncset.done $0x0  }
0x25f: {  	[sflag:s16] =	ssyncadd.s32 $0xFFFFF000  }
0x260: {  	[bflag:$0x0] =	sbarrier.arrive $0xFFFF  }
0x261: {  	s9 =	simm.s32 $0x0;
	s11 =	rddreg [dreg:$0xc]  }
0x262: {  	[tilespmem:s9], [sflag:$0x1] =	stream.linear.gather [hbm4b:s11+s9], $0x400, $0x38;
	[tilespmem:$0x1D200] =	vst v63  }
0x263: {  	s15 =	rddreg [dreg:$0xe]  }
0x264: {  	[tilespmem:s18], [sflag:$0x1] =	stream.linear.gather [hbm4b:s15+s9], $0x400, $0x38;
	[tilespmem:$0x1D200] =	vst v63  }
0x265: {  	s29 =	simm.s32 $0x1000;
	s26 =	rddreg [dreg:$0xf]  }
0x266: {  	[tilespmem:s29], [sflag:$0x1] =	stream.linear.gather [hbm4b:s26+s9], $0x400, $0x38;
	[tilespmem:$0x1D200] =	vst v63  }
0x267: {  	s26 =	simm.s32 $0x1400  }
.LBB2_18:
0x268: {  	_ =	swait.ge [sflag:s19], $0x400  }
0x269: {  	[sflag:s19] =	ssyncset.done $0x0  }
0x26a: {  	[sflag:s19] =	ssyncadd.s32 $0xFFFFFC00  }
0x26b: {  	_ =	swait.ge [sflag:s19], $0x400  }
0x26c: {  	[sflag:s19] =	ssyncset.done $0x0  }
0x26d: {  	s10 =	sshll.u32 s9, $0xB;
	[sflag:s19] =	ssyncadd.s32 $0xFFFFFC00  }
0x26e: {  	s0 =	sadd.s32 s10, s12;
	_ =	swait.ge [sflag:s19], $0x400  }
0x26f: {  	s0 =	sshrl.u32 s0, $0x3;
	[sflag:s19] =	ssyncset.done $0x0  }
0x270: {  	s4 =	sadd.s32 s6, s0;
	[sflag:s19] =	ssyncadd.s32 $0xFFFFFC00  }
0x271: {  	[tilespmem:s20], [sflag:$0x2] =	stream.linear.gather [hbm4b:s4+s3], $0x400, $0x38;
	[tilespmem:$0x1D200] =	vst v63  }
0x272: {  	s29 =	sadd.s32 s7, s0  }
0x273: {  	[tilespmem:s21], [sflag:$0x2] =	stream.linear.gather [hbm4b:s29+s3], $0x400, $0x38;
	[tilespmem:$0x1D200] =	vst v63  }
0x274: {  	p0 =	seq.s32 s9, $0x0;
	s0 =	sadd.s32 s8, s0  }
0x275: {  	[tilespmem:s26], [sflag:$0x2] =	stream.linear.gather [hbm4b:s0+s3], $0x400, $0x38;
	[tilespmem:$0x1D200] =	vst v63  }
0x276: {  	s0 =	simm.s32 @!p0 $0x3  }
0x277: {  	_ =	swait.ge @!p0 [sflag:s0], $0x800  }
0x278: {  	[sflag:s0] =	ssyncset.done @!p0 $0x0  }
0x279: {  	s15 =	simm.s32 $0x0;
	[sflag:s0] =	ssyncadd.s32 @!p0 $0xFFFFF800  }
0x27a: {  	v6 =	vld [tilespmem:s15+$0x800]  }
0x27b: {  	v7 =	vld [tilespmem:s15+$0x0]  }
0x27c: {  	v9 =	vld [tilespmem:s15+$0x1000];
	_ =	sdelay $0x2  }
0x27d: {  	s11 =	simm.s32 $0x10  }
0x27e: {  	v8 =	vld [tilespmem:s11+$0x800];
	v10 =	vsub.s32 v6, v2;
	v11 =	vand.u32 $0x1FFF, v6;
	v12 =	vsub.s32 v7, v2  }
0x27f: {  	v6 =	vld [tilespmem:s11+$0x0];
	v13 =	vand.u32 $0x1FFF, v7;
	[tilespmem:s15+$0x2800] =	vst v9;
	v11 =	vor.u32 $0x180000, v11;
	vm0 =	vlt.u32 v10, $0x100000  }
0x280: {  	vm1 =	vlt.u32 v12, $0x100000;
	v7 =	vld [tilespmem:s11+$0x1000];
	v10 =	vsel vm0, v10, v11;
	v11 =	vor.u32 $0x180000, v13  }
0x281: {  	v9 =	vsub.f32 $0.0e+00, v9;
	[tilespmem:s15+$0x1C00] =	vst v10;
	v10 =	vsel vm1, v12, v11  }
0x282: {  	s0 =	simm.s32 $0x80;
	[tilespmem:s15+$0x1800] =	vst v10  }
.LBB2_19:
0x283: {  	s4 =	sshra.s32 s0, $0x2;
	p0 =	sne.s32 s0, $0xFC0;
	s0 =	sadd.s32 $0x40, s0;
	v10 =	vsub.s32 v8, v2;
	v11 =	vand.u32 $0x1FFF, v8;
	[tilespmem:s15+$0x2C00] =	vst v9  }
.Ltmp8:
0x284: {  	s15 =	smov.u32 s11;
	v8 =	vld [tilespmem:s4+$0x800];
	v12 =	vsub.s32 v6, v2;
	v9 =	vor.u32 $0x180000, v11;
	vm0 =	vlt.u32 v10, $0x100000;
	s11 =	smov.u32 s4;
	(pc) =	sbr.rel @p0 .LBB2_19-.Ltmp8, $4  }
0x285: {  	v11 =	vand.u32 $0x1FFF, v6;
	v6 =	vld [tilespmem:s11+$0x0];
	vm1 =	vlt.u32 v12, $0x100000;
	v9 =	vsel vm0, v10, v9;
	[tilespmem:s15+$0x2800] =	vst v7  }
0x286: {  	v10 =	vor.u32 $0x180000, v11;
	[tilespmem:s15+$0x1C00] =	vst v9;
	v9 =	vsub.f32 $0.0e+00, v7;
	v7 =	vld [tilespmem:s11+$0x1000]  }
0x287: {  	v10 =	vsel vm1, v12, v10  }
0x288: {  	[tilespmem:s15+$0x1800] =	vst v10  }
0x289: {  	_ = 	snop  }
0x28a: {  	v10 =	vsub.s32 v8, v2;
	v8 =	vand.u32 $0x1FFF, v8;
	v11 =	vsub.s32 v6, v2  }
0x28b: {  	[tilespmem:s15+$0x2C00] =	vst v9;
	v8 =	vor.u32 $0x180000, v8;
	vm0 =	vlt.u32 v10, $0x100000;
	v6 =	vand.u32 $0x1FFF, v6  }
0x28c: {  	vm1 =	vlt.u32 v11, $0x100000;
	v8 =	vsel vm0, v10, v8;
	[tilespmem:s11+$0x2800] =	vst v7;
	v6 =	vor.u32 $0x180000, v6  }
0x28d: {  	v7 =	vsub.f32 $0.0e+00, v7;
	[tilespmem:s11+$0x1C00] =	vst v8;
	v6 =	vsel vm1, v11, v6  }
0x28e: {  	[tilespmem:s11+$0x1800] =	vst v6  }
0x28f: {  	[tilespmem:s11+$0x2C00] =	vst v7  }
0x290: {  	[spmem:s2] =	stream.indirect.scatter.add.f32 [tilespmem:s30], [sflag:$0x3], $0x1, s22, s18, $0xb8;
	[tilespmem:$0x1D200] =	vst v63  }
0x291: {  	_ =	swait.ge [sflag:s24], $0x400  }
0x292: {  	[sflag:s24] =	ssyncset.done $0x0  }
0x293: {  	[sflag:s24] =	ssyncadd.s32 $0xFFFFFC00  }
0x294: {  	_ =	swait.ge [sflag:s24], $0x400  }
0x295: {  	[sflag:s24] =	ssyncset.done $0x0  }
0x296: {  	p0 =	seq.s32 s9, $0x3D;
	[sflag:s24] =	ssyncadd.s32 $0xFFFFFC00  }
0x297: {  	s0 =	sadd.s32 @!p0 s10, s13;
	_ =	swait.ge [sflag:s24], $0x400  }
0x298: {  	s0 =	sshrl.u32 @!p0 s0, $0x3;
	[sflag:s24] =	ssyncset.done $0x0  }
0x299: {  	s10 =	simm.s32 @!p0 $0x0;
	s4 =	sadd.s32 @!p0 s6, s0;
	[sflag:s24] =	ssyncadd.s32 $0xFFFFFC00  }
0x29a: {  	[tilespmem:s10], [sflag:$0x1] =	stream.linear.gather @!p0 [hbm4b:s4+s10], $0x400, $0x38;
	[tilespmem:$0x1D200] =	vst v63  }
0x29b: {  	s11 =	simm.s32 @!p0 $0x800;
	s4 =	sadd.s32 @!p0 s7, s0  }
0x29c: {  	[tilespmem:s11], [sflag:$0x1] =	stream.linear.gather @!p0 [hbm4b:s4+s10], $0x400, $0x38;
	[tilespmem:$0x1D200] =	vst v63  }
0x29d: {  	p1 =	seq.s32 @!p0 s9, $0x0;
	s0 =	sadd.s32 @!p0 s8, s0;
	s4 =	simm.s32 @!p0 $0x1000  }
0x29e: {  	[tilespmem:s4], [sflag:$0x1] =	stream.linear.gather @!p0 [hbm4b:s0+s10], $0x400, $0x38;
	[tilespmem:$0x1D200] =	vst v63  }
0x29f: {  	p0 =	por p0, !p1  }
0x2a0: {  	_ =	swait.ge @p0 [sflag:s28], $0x800  }
0x2a1: {  	[sflag:s28] =	ssyncset.done @p0 $0x0  }
0x2a2: {  	s11 =	simm.s32 $0x0;
	[sflag:s28] =	ssyncadd.s32 @p0 $0xFFFFF800  }
0x2a3: {  	v6 =	vld [tilespmem:s11+$0xC00]  }
0x2a4: {  	v7 =	vld [tilespmem:s11+$0x400]  }
0x2a5: {  	v9 =	vld [tilespmem:s11+$0x1400];
	_ =	sdelay $0x2  }
0x2a6: {  	s10 =	simm.s32 $0x10  }
0x2a7: {  	v8 =	vld [tilespmem:s10+$0xC00];
	v10 =	vsub.s32 v6, v2;
	v11 =	vand.u32 $0x1FFF, v6;
	v12 =	vsub.s32 v7, v2  }
0x2a8: {  	v6 =	vld [tilespmem:s10+$0x400];
	v13 =	vand.u32 $0x1FFF, v7;
	[tilespmem:s11+$0x3000] =	vst v9;
	v11 =	vor.u32 $0x180000, v11;
	vm14 =	vlt.u32 v10, $0x100000  }
0x2a9: {  	vm15 =	vlt.u32 v12, $0x100000;
	v7 =	vld [tilespmem:s10+$0x1400];
	v10 =	vsel vm14, v10, v11;
	v11 =	vor.u32 $0x180000, v13  }
0x2aa: {  	v9 =	vsub.f32 $0.0e+00, v9;
	[tilespmem:s11+$0x2400] =	vst v10;
	v10 =	vsel vm15, v12, v11  }
0x2ab: {  	s9 =	sadd.s32 $0x1, s9;
	s0 =	simm.s32 $0x80;
	[tilespmem:s11+$0x2000] =	vst v10  }
.LBB2_21:
0x2ac: {  	s4 =	sshra.s32 s0, $0x2;
	p0 =	sne.s32 s0, $0xFC0;
	s0 =	sadd.s32 $0x40, s0;
	v10 =	vsub.s32 v8, v2;
	v11 =	vand.u32 $0x1FFF, v8;
	[tilespmem:s11+$0x3400] =	vst v9  }
.Ltmp9:
0x2ad: {  	s11 =	smov.u32 s10;
	v8 =	vld [tilespmem:s4+$0xC00];
	v12 =	vsub.s32 v6, v2;
	v9 =	vor.u32 $0x180000, v11;
	vm0 =	vlt.u32 v10, $0x100000;
	s10 =	smov.u32 s4;
	(pc) =	sbr.rel @p0 .LBB2_21-.Ltmp9, $4  }
0x2ae: {  	v11 =	vand.u32 $0x1FFF, v6;
	v6 =	vld [tilespmem:s10+$0x400];
	vm1 =	vlt.u32 v12, $0x100000;
	v9 =	vsel vm0, v10, v9;
	[tilespmem:s11+$0x3000] =	vst v7  }
0x2af: {  	v10 =	vor.u32 $0x180000, v11;
	[tilespmem:s11+$0x2400] =	vst v9;
	v9 =	vsub.f32 $0.0e+00, v7;
	v7 =	vld [tilespmem:s10+$0x1400]  }
0x2b0: {  	v10 =	vsel vm1, v12, v10  }
0x2b1: {  	[tilespmem:s11+$0x2000] =	vst v10  }
0x2b2: {  	_ = 	snop  }
0x2b3: {  	v10 =	vsub.s32 v8, v2;
	v63 =	vand.u32 $0x1FFF, v8;
	v11 =	vsub.s32 v6, v2  }
0x2b4: {  	[tilespmem:s11+$0x3400] =	vst v9;
	p0 =	sne.s32 s9, $0x3E;
	v8 =	vor.u32 $0x180000, v63;
	vm0 =	vlt.u32 v10, $0x100000;
	v6 =	vand.u32 $0x1FFF, v6  }
.Ltmp10:
0x2b5: {  	vm1 =	vlt.u32 v11, $0x100000;
	v8 =	vsel vm0, v10, v8;
	[tilespmem:s10+$0x3000] =	vst v7;
	v6 =	vor.u32 $0x180000, v6;
	(pc) =	sbr.rel @p0 .LBB2_18-.Ltmp10, $4  }
0x2b6: {  	v7 =	vsub.f32 $0.0e+00, v7;
	[tilespmem:s10+$0x2400] =	vst v8;
	v6 =	vsel vm1, v11, v6  }
0x2b7: {  	[tilespmem:s10+$0x2000] =	vst v6  }
0x2b8: {  	[tilespmem:s10+$0x3400] =	vst v7  }
0x2b9: {  	[spmem:s2] =	stream.indirect.scatter.add.f32 [tilespmem:s31], [sflag:$0x4], $0x1, s25, s18, $0xb8;
	[tilespmem:$0x1D200] =	vst v63  }
0x2ba: {  	s0 =	simm.s32 $0x3  }
0x2bb: {  	_ =	swait.ge [sflag:s0], $0x800  }
0x2bc: {  	[sflag:s0] =	ssyncset.done $0x0  }
0x2bd: {  	[sflag:s0] =	ssyncadd.s32 $0xFFFFF800  }
0x2be: {  	_ =	swait.ge [sflag:s28], $0x800  }
0x2bf: {  	[sflag:s28] =	ssyncset.done $0x0  }
0x2c0: {  	[sflag:s28] =	ssyncadd.s32 $0xFFFFF800  }
0x2c1: {  	[bflag:$0x0] =	sbarrier.arrive $0xFFFF  }
0x2c2: {  	s9 =	sld [smem:$0x7CD];
	_ =	sdelay $0x1  }
0x2c3: {  	s17 =	sshrl.u32 s17, $0x3;
	s4 =	rddreg [dreg:$0xd]  }
0x2c4: {  	[hbm:s4], [sflag:s9] =	dma.local [spmem:s17], $0x2000  }
0x2c5: {  	_ =	swait.ge [sflag:s16], $0x2000  }
0x2c6: {  	s26 =	sld [smem:$0x7CF];
	_ =	sdelay $0x2  }
0x2c7: {  	s29 =	rddreg [dreg:$0x10];
	s4 =	sadd.s32 $0x1, s26  }
0x2c8: {  	p0 =	sne.s32 s4, s29  }
.Ltmp11:
0x2c9: {  	_ = 	snop;
	(pc) =	sbr.rel @p0 .LBB2_1-.Ltmp11, $3  }
0x2ca: {  	[sflag:s16] =	ssyncset.done $0x0  }
0x2cb: {  	[sflag:s16] =	ssyncadd.s32 $0xFFFFE000  }
0x2cc: {  	[bflag:$0x0] =	sbarrier.arrive $0xFFFF;
	_ =	sdelay $0x1  }
0x2cd: {  	_ =	sfence.sel $0x180000  }
0x2ce: {  	[bflag:$0x0] =	sbarrier.arrive $0xFFFF  }
0x2cf: {  	_ =	strace $0x90000047  }
0x2d0: {  	s0 =	stileid.u32;
	[bflag:$0x2] =	sbarrier.arrive $0xFFFF  }
0x2d1: {  	p0 =	sne.s32 s0, $0x0;
	s0 =	rddreg [dreg:$0x4]  }
0x2d2: {  	s0 =	sadd.s32 @!p0 $0x100000, s0  }
0x2d3: {  	[sflag:s0] =	ssyncadd.tile.s32 @!p0 $0x1;
	_ =	shalt  }
.Lfunc_end2:
_tile_overlayer_lowered:
.L_overlay_start_2:
0x2d4: {  	(tag) =	ssettag $0x2  }
0x2d5: {  	s0 =	rddreg [dreg:$0x0];
	s2 =	stileid.u32  }
0x2d6: {  	s1 =	rddreg [dreg:$0x1];
	p0 =	sne.s32 s2, $0x0  }
0x2d7: {  	s3 =	rddreg [dreg:$0x2];
	[bflag:$0x3] =	sbarrier.arrive $0xFFFF;
	s2 =	simm.s32 @!p0 $0x1C05  }
0x2d8: {  	[timem:s3], [sflag:s2] =	dma.local @!p0 [hbm:s0], s1  }
0x2d9: {  	s0 =	simm.s32 @!p0 $0x5  }
0x2da: {  	_ =	swait.ge @!p0 [sflag:s0], s1  }
0x2db: {  	s1 =	ssub.s32 @!p0 $0x0, s1;
	[sflag:s0] =	ssyncset.done @!p0 $0x0  }
0x2dc: {  	[sflag:s0] =	ssyncadd.s32 @!p0 s1  }
0x2dd: {  	[bflag:$0x3] =	sbarrier.arrive $0xFFFF  }
0x2de: {  	_ =	shalt  }

</sc_bundles>
